<compile_context>
chip_gen: v7x
topology: tpu7x:2x2x1
jax: 0.10.2.dev20260603
libtpu: 0.0.44.dev20260713+nightly
codegen_flags: <defaults>
</compile_context>

<pallas_src>
import numpy as np
import jax
import jax.numpy as jnp
from jax import lax
from jax.experimental import pallas as pl
from jax.experimental.pallas import tpu as pltpu
from jax.experimental.pallas import tpu_sc as plsc

_GROUPS = 8


def _shuffle_row_index(batch, channels, groups):
    cpg = channels // groups
    oc = np.arange(channels, dtype=np.int64)
    perm = oc // cpg + (oc % cpg) * groups
    rows = (np.arange(batch, dtype=np.int64)[:, None] * channels + perm[None, :])
    return rows.reshape(-1).astype(np.int32)


def kernel(input):
    b, c, h, w = input.shape
    hw = h * w
    rows = b * c

    info = plsc.get_sparse_core_info()
    NC, NS = info.num_cores, info.num_subcores
    NW = NC * NS
    rows_per_w = rows // NW
    CH = 16
    n_ch = rows_per_w // CH

    idx = _shuffle_row_index(b, c, _GROUPS).reshape(NW, n_ch, CH)
    idx_arr = jnp.asarray(idx)

    x = input.reshape(rows, hw)
    mesh = plsc.VectorSubcoreMesh(core_axis_name="c", subcore_axis_name="s")

    @pl.kernel(
        out_type=jax.ShapeDtypeStruct((rows, hw), jnp.float32),
        mesh=mesh,
        scratch_types=[
            pltpu.VMEM((n_ch, CH), jnp.int32),
            pltpu.VMEM((CH, hw), jnp.float32),
            pltpu.VMEM((CH, hw), jnp.float32),
            pltpu.SemaphoreType.DMA,
            pltpu.SemaphoreType.DMA,
            pltpu.SemaphoreType.DMA,
            pltpu.SemaphoreType.DMA,
        ],
        compiler_params=pltpu.CompilerParams(use_tc_tiling_on_sc=False),
    )
    def shuffle_rows(x_hbm, idx_hbm, out_hbm, idx_v, buf0, buf1,
                     in_sem0, in_sem1, out_sem0, out_sem1):
        wid = lax.axis_index("s") * NC + lax.axis_index("c")
        pltpu.sync_copy(idx_hbm.at[wid], idx_v)
        base = wid * rows_per_w
        bufs = (buf0, buf1)
        in_sems = (in_sem0, in_sem1)
        out_sems = (out_sem0, out_sem1)

        def gather(j, b):
            pltpu.async_copy(x_hbm.at[idx_v.at[j]], bufs[b], in_sems[b])

        def scatter_start(j, b):
            pltpu.async_copy(
                bufs[b], out_hbm.at[pl.ds(base + j * CH, CH)], out_sems[b])

        def scatter_wait(j, b):
            pltpu.make_async_copy(
                bufs[b], out_hbm.at[pl.ds(base + j * CH, CH)],
                out_sems[b]).wait()

        def gather_wait(j, b):
            pltpu.make_async_copy(
                x_hbm.at[idx_v.at[j]], bufs[b], in_sems[b]).wait()

        gather(0, 0)

        @pl.loop(0, n_ch, step=2)
        def _(j0):
            for b in range(2):
                j = j0 + b
                nb = 1 - b
                @pl.when(j >= 1)
                def _():
                    scatter_wait(j - 1, nb)

                @pl.when(j + 1 < n_ch)
                def _():
                    gather(j + 1, nb)

                gather_wait(j, b)
                scatter_start(j, b)

        scatter_wait(n_ch - 1, (n_ch - 1) % 2)

    out = shuffle_rows(x, idx_arr)
    return out.reshape(b, c, h, w)

# --- scband reference (transcript-rebuilt; emitter-appended) ---
"""Pipeline reference for scband-shuffle-20435454394394 (READ-ONLY COPY).

The authoritative reference and input builder live on the scoring server;
editing this copy changes nothing except your own understanding.
"""

import jax, jax.numpy as jnp
import numpy as np

GROUPS = 8

def _shuffle_perm(channels, groups):
    channels_per_group = channels // groups
    perm = np.empty(channels, dtype=np.int64)
    for i in range(channels):
        perm[i] = i // channels_per_group + (i % channels_per_group) * groups
    return jnp.asarray(perm)

def setup_inputs(seed: int = 0) -> dict:
    key = jax.random.key(seed)
    x = jax.random.normal(key, (32, 384, 56, 56), dtype=jnp.float32)
    return {"input": x}

def reference(input):
    batch, channels, h, w = input.shape
    if channels % GROUPS != 0:
        raise ValueError('invalid groups %d' % GROUPS)
    perm = _shuffle_perm(channels, GROUPS)
    out = jnp.take(input, perm, axis=1)
    return out

if __name__ == "__main__":
    import jax
    _d = setup_inputs()
    print(jax.jit(kernel)(*tuple(_d.values())))

</pallas_src>

<mosaic_0001>
#map = affine_map<(d0, d1) -> (0, 0)>
#map1 = affine_map<(d0, d1) -> (0, 0, 0)>
module attributes {stable_mosaic.version = 14 : i64} {
  func.func @shuffle_rows(%arg0: i32, %arg1: i32, %arg2: memref<12288x3136xf32, #tpu.memory_space<hbm>>, %arg3: memref<32x24x16xi32, #tpu.memory_space<hbm>>, %arg4: memref<12288x3136xf32, #tpu.memory_space<hbm>>, %arg5: memref<24x16xi32, #tpu.memory_space<vmem>>, %arg6: memref<16x3136xf32, #tpu.memory_space<vmem>>, %arg7: memref<16x3136xf32, #tpu.memory_space<vmem>>, %arg8: memref<!tpu.dma_semaphore, #tpu.memory_space<semaphore_mem>>, %arg9: memref<!tpu.dma_semaphore, #tpu.memory_space<semaphore_mem>>, %arg10: memref<!tpu.dma_semaphore, #tpu.memory_space<semaphore_mem>>, %arg11: memref<!tpu.dma_semaphore, #tpu.memory_space<semaphore_mem>>) attributes {dimension_semantics = [#tpu.dimension_semantics<core_parallel>, #tpu.dimension_semantics<subcore_parallel>], iteration_bounds = array<i64: 2, 16>, scalar_prefetch = 0 : i64, scratch_operands = 7 : i64, tpu.core_type = #tpu.core_type<sc_vector_subcore>, window_params = [{transform_indices = #map}, {transform_indices = #map1}, {transform_indices = #map}]} {
    %mul3A = arith.constant 2 : i32
    %mul3A_0 = arith.muli %arg1, %mul3A : i32
    %add3A = arith.addi %mul3A_0, %arg0 : i32
    "tpu.region"() ({
      %run_scoped3A = tpu.sem_alloc : memref<!tpu.dma_semaphore, #tpu.memory_space<semaphore_mem>>
      %dma_start3A_18 = arith.constant 0 : i32
      %dma_start3A_19 = arith.constant 0 : i32
      %dma_start3A_20 = tpu.memref_slice %arg3[%add3A, %dma_start3A_18, %dma_start3A_19] : memref<32x24x16xi32, #tpu.memory_space<hbm>> -> memref<1x24x16xi32, #tpu.memory_space<hbm>>
      %dma_start3A_21 = tpu.memref_squeeze %dma_start3A_20 : memref<1x24x16xi32, #tpu.memory_space<hbm>> -> memref<24x16xi32, #tpu.memory_space<hbm>>
      %dma_start3A_22 = arith.constant 0 : i32
      %dma_start3A_23 = arith.constant 0 : i32
      %dma_start3A_24 = tpu.memref_slice %arg3[%add3A, %dma_start3A_22, %dma_start3A_23] : memref<32x24x16xi32, #tpu.memory_space<hbm>> -> memref<1x24x16xi32, #tpu.memory_space<hbm>>
      %dma_start3A_25 = tpu.memref_squeeze %dma_start3A_24 : memref<1x24x16xi32, #tpu.memory_space<hbm>> -> memref<24x16xi32, #tpu.memory_space<hbm>>
      tpu.enqueue_dma source(%dma_start3A_25 : memref<24x16xi32, #tpu.memory_space<hbm>>) target(%arg5 : memref<24x16xi32, #tpu.memory_space<vmem>>) target_semaphore(%run_scoped3A : memref<!tpu.dma_semaphore, #tpu.memory_space<semaphore_mem>>)
      %dma_wait3A_26 = arith.constant 0 : i32
      %dma_wait3A_27 = arith.constant 0 : i32
      %dma_wait3A_28 = tpu.memref_slice %arg3[%add3A, %dma_wait3A_26, %dma_wait3A_27] : memref<32x24x16xi32, #tpu.memory_space<hbm>> -> memref<1x24x16xi32, #tpu.memory_space<hbm>>
      %dma_wait3A_29 = tpu.memref_squeeze %dma_wait3A_28 : memref<1x24x16xi32, #tpu.memory_space<hbm>> -> memref<24x16xi32, #tpu.memory_space<hbm>>
      %dma_wait3A_30 = arith.constant 0 : i32
      %dma_wait3A_31 = arith.constant 0 : i32
      %dma_wait3A_32 = tpu.memref_slice %arg3[%add3A, %dma_wait3A_30, %dma_wait3A_31] : memref<32x24x16xi32, #tpu.memory_space<hbm>> -> memref<1x24x16xi32, #tpu.memory_space<hbm>>
      %dma_wait3A_33 = tpu.memref_squeeze %dma_wait3A_32 : memref<1x24x16xi32, #tpu.memory_space<hbm>> -> memref<24x16xi32, #tpu.memory_space<hbm>>
      tpu.wait_dma2 semaphore(%run_scoped3A : memref<!tpu.dma_semaphore, #tpu.memory_space<semaphore_mem>>) src(%dma_wait3A_33 : memref<24x16xi32, #tpu.memory_space<hbm>>) dst(%arg5 : memref<24x16xi32, #tpu.memory_space<vmem>>)
      tpu.yield
    }) : () -> ()
    %mul3A_1 = arith.constant 384 : i32
    %mul3A_2 = arith.muli %add3A, %mul3A_1 : i32
    %dma_start3A = arith.constant 0 : i32
    %dma_start3A_3 = arith.constant 0 : i32
    %dma_start3A_4 = tpu.memref_slice %arg5[%dma_start3A, %dma_start3A_3] : memref<24x16xi32, #tpu.memory_space<vmem>> -> memref<1x16xi32, #tpu.memory_space<vmem>>
    %dma_start3A_5 = tpu.memref_squeeze %dma_start3A_4 : memref<1x16xi32, #tpu.memory_space<vmem>> -> memref<16xi32, #tpu.memory_space<vmem>>
    %dma_start3A_6 = arith.constant 0 : i32
    %dma_start3A_7 = arith.constant 0 : i32
    %dma_start3A_8 = tpu.memref_slice %arg2[%dma_start3A_6, %dma_start3A_7] : memref<12288x3136xf32, #tpu.memory_space<hbm>> -> memref<12288x3136xf32, #tpu.memory_space<hbm>>
    tpu.enqueue_indirect_dma source(%dma_start3A_8 : memref<12288x3136xf32, #tpu.memory_space<hbm>>) target(%arg6 : memref<16x3136xf32, #tpu.memory_space<vmem>>) offsets(%dma_start3A_5 : memref<16xi32, #tpu.memory_space<vmem>>) semaphore(%arg8 : memref<!tpu.dma_semaphore, #tpu.memory_space<semaphore_mem>>)
    %scan3A = arith.constant 0 : i32
    %scan3A_9 = arith.constant 12 : i32
    %scan3A_10 = arith.addi %scan3A, %scan3A_9 : i32
    %scan3A_11 = arith.constant 1 : i32
    scf.for %scan3A_18 = %scan3A to %scan3A_10 step %scan3A_11  : i32 {
      %mul3A_19 = arith.constant 2 : i32
      %mul3A_20 = arith.muli %scan3A_18, %mul3A_19 : i32
      %add3A_21 = arith.constant 0 : i32
      %add3A_22 = arith.addi %add3A_21, %mul3A_20 : i32
      %add3A_23 = arith.constant 0 : i32
      %add3A_24 = arith.addi %add3A_22, %add3A_23 : i32
      %ge3A = arith.constant 1 : i32
      %ge3A_25 = arith.cmpi sge, %add3A_24, %ge3A : i32
      %convert_element_type3A = arith.extui %ge3A_25 : i1 to i32
      %cond3A = arith.constant 0 : i32
      %cond3A_26 = arith.cmpi ne, %convert_element_type3A, %cond3A : i32
      scf.if %cond3A_26 {
        %sub3A = arith.constant 1 : i32
        %sub3A_73 = arith.subi %add3A_24, %sub3A : i32
        %mul3A_74 = arith.constant 16 : i32
        %mul3A_75 = arith.muli %sub3A_73, %mul3A_74 : i32
        %add3A_76 = arith.addi %mul3A_2, %mul3A_75 : i32
        %dma_wait3A_77 = arith.constant 0 : i32
        %dma_wait3A_78 = tpu.memref_slice %arg4[%add3A_76, %dma_wait3A_77] : memref<12288x3136xf32, #tpu.memory_space<hbm>> -> memref<16x3136xf32, #tpu.memory_space<hbm>>
        %dma_wait3A_79 = arith.constant 0 : i32
        %dma_wait3A_80 = tpu.memref_slice %arg4[%add3A_76, %dma_wait3A_79] : memref<12288x3136xf32, #tpu.memory_space<hbm>> -> memref<16x3136xf32, #tpu.memory_space<hbm>>
        tpu.wait_dma2 semaphore(%arg11 : memref<!tpu.dma_semaphore, #tpu.memory_space<semaphore_mem>>) src(%arg7 : memref<16x3136xf32, #tpu.memory_space<vmem>>) dst(%dma_wait3A_80 : memref<16x3136xf32, #tpu.memory_space<hbm>>)
      } else {
      }
      %add3A_27 = arith.constant 1 : i32
      %add3A_28 = arith.addi %add3A_24, %add3A_27 : i32
      %lt3A = arith.constant 24 : i32
      %lt3A_29 = arith.cmpi slt, %add3A_28, %lt3A : i32
      %convert_element_type3A_30 = arith.extui %lt3A_29 : i1 to i32
      %cond3A_31 = arith.constant 0 : i32
      %cond3A_32 = arith.cmpi ne, %convert_element_type3A_30, %cond3A_31 : i32
      scf.if %cond3A_32 {
        %add3A_73 = arith.constant 1 : i32
        %add3A_74 = arith.addi %add3A_24, %add3A_73 : i32
        %dma_start3A_75 = arith.constant 0 : i32
        %dma_start3A_76 = tpu.memref_slice %arg5[%add3A_74, %dma_start3A_75] : memref<24x16xi32, #tpu.memory_space<vmem>> -> memref<1x16xi32, #tpu.memory_space<vmem>>
        %dma_start3A_77 = tpu.memref_squeeze %dma_start3A_76 : memref<1x16xi32, #tpu.memory_space<vmem>> -> memref<16xi32, #tpu.memory_space<vmem>>
        %dma_start3A_78 = arith.constant 0 : i32
        %dma_start3A_79 = arith.constant 0 : i32
        %dma_start3A_80 = tpu.memref_slice %arg2[%dma_start3A_78, %dma_start3A_79] : memref<12288x3136xf32, #tpu.memory_space<hbm>> -> memref<12288x3136xf32, #tpu.memory_space<hbm>>
        tpu.enqueue_indirect_dma source(%dma_start3A_80 : memref<12288x3136xf32, #tpu.memory_space<hbm>>) target(%arg7 : memref<16x3136xf32, #tpu.memory_space<vmem>>) offsets(%dma_start3A_77 : memref<16xi32, #tpu.memory_space<vmem>>) semaphore(%arg9 : memref<!tpu.dma_semaphore, #tpu.memory_space<semaphore_mem>>)
      } else {
      }
      %dma_wait3A_33 = arith.constant 0 : i32
      %dma_wait3A_34 = tpu.memref_slice %arg5[%add3A_24, %dma_wait3A_33] : memref<24x16xi32, #tpu.memory_space<vmem>> -> memref<1x16xi32, #tpu.memory_space<vmem>>
      %dma_wait3A_35 = tpu.memref_squeeze %dma_wait3A_34 : memref<1x16xi32, #tpu.memory_space<vmem>> -> memref<16xi32, #tpu.memory_space<vmem>>
      %dma_wait3A_36 = arith.constant 0 : i32
      %dma_wait3A_37 = arith.constant 0 : i32
      %dma_wait3A_38 = tpu.memref_slice %arg2[%dma_wait3A_36, %dma_wait3A_37] : memref<12288x3136xf32, #tpu.memory_space<hbm>> -> memref<12288x3136xf32, #tpu.memory_space<hbm>>
      tpu.wait_indirect_dma semaphore(%arg8 : memref<!tpu.dma_semaphore, #tpu.memory_space<semaphore_mem>>) src(%dma_wait3A_38 : memref<12288x3136xf32, #tpu.memory_space<hbm>>) dst(%arg6 : memref<16x3136xf32, #tpu.memory_space<vmem>>)
      %mul3A_39 = arith.constant 16 : i32
      %mul3A_40 = arith.muli %add3A_24, %mul3A_39 : i32
      %add3A_41 = arith.addi %mul3A_2, %mul3A_40 : i32
      %dma_start3A_42 = arith.constant 0 : i32
      %dma_start3A_43 = tpu.memref_slice %arg4[%add3A_41, %dma_start3A_42] : memref<12288x3136xf32, #tpu.memory_space<hbm>> -> memref<16x3136xf32, #tpu.memory_space<hbm>>
      %dma_start3A_44 = arith.constant 0 : i32
      %dma_start3A_45 = tpu.memref_slice %arg4[%add3A_41, %dma_start3A_44] : memref<12288x3136xf32, #tpu.memory_space<hbm>> -> memref<16x3136xf32, #tpu.memory_space<hbm>>
      tpu.enqueue_dma source(%arg6 : memref<16x3136xf32, #tpu.memory_space<vmem>>) target(%dma_start3A_45 : memref<16x3136xf32, #tpu.memory_space<hbm>>) target_semaphore(%arg10 : memref<!tpu.dma_semaphore, #tpu.memory_space<semaphore_mem>>)
      %add3A_46 = arith.constant 1 : i32
      %add3A_47 = arith.addi %add3A_22, %add3A_46 : i32
      %ge3A_48 = arith.constant 1 : i32
      %ge3A_49 = arith.cmpi sge, %add3A_47, %ge3A_48 : i32
      %convert_element_type3A_50 = arith.extui %ge3A_49 : i1 to i32
      %cond3A_51 = arith.constant 0 : i32
      %cond3A_52 = arith.cmpi ne, %convert_element_type3A_50, %cond3A_51 : i32
      scf.if %cond3A_52 {
        %sub3A = arith.constant 1 : i32
        %sub3A_73 = arith.subi %add3A_47, %sub3A : i32
        %mul3A_74 = arith.constant 16 : i32
        %mul3A_75 = arith.muli %sub3A_73, %mul3A_74 : i32
        %add3A_76 = arith.addi %mul3A_2, %mul3A_75 : i32
        %dma_wait3A_77 = arith.constant 0 : i32
        %dma_wait3A_78 = tpu.memref_slice %arg4[%add3A_76, %dma_wait3A_77] : memref<12288x3136xf32, #tpu.memory_space<hbm>> -> memref<16x3136xf32, #tpu.memory_space<hbm>>
        %dma_wait3A_79 = arith.constant 0 : i32
        %dma_wait3A_80 = tpu.memref_slice %arg4[%add3A_76, %dma_wait3A_79] : memref<12288x3136xf32, #tpu.memory_space<hbm>> -> memref<16x3136xf32, #tpu.memory_space<hbm>>
        tpu.wait_dma2 semaphore(%arg10 : memref<!tpu.dma_semaphore, #tpu.memory_space<semaphore_mem>>) src(%arg6 : memref<16x3136xf32, #tpu.memory_space<vmem>>) dst(%dma_wait3A_80 : memref<16x3136xf32, #tpu.memory_space<hbm>>)
      } else {
      }
      %add3A_53 = arith.constant 1 : i32
      %add3A_54 = arith.addi %add3A_47, %add3A_53 : i32
      %lt3A_55 = arith.constant 24 : i32
      %lt3A_56 = arith.cmpi slt, %add3A_54, %lt3A_55 : i32
      %convert_element_type3A_57 = arith.extui %lt3A_56 : i1 to i32
      %cond3A_58 = arith.constant 0 : i32
      %cond3A_59 = arith.cmpi ne, %convert_element_type3A_57, %cond3A_58 : i32
      scf.if %cond3A_59 {
        %add3A_73 = arith.constant 1 : i32
        %add3A_74 = arith.addi %add3A_47, %add3A_73 : i32
        %dma_start3A_75 = arith.constant 0 : i32
        %dma_start3A_76 = tpu.memref_slice %arg5[%add3A_74, %dma_start3A_75] : memref<24x16xi32, #tpu.memory_space<vmem>> -> memref<1x16xi32, #tpu.memory_space<vmem>>
        %dma_start3A_77 = tpu.memref_squeeze %dma_start3A_76 : memref<1x16xi32, #tpu.memory_space<vmem>> -> memref<16xi32, #tpu.memory_space<vmem>>
        %dma_start3A_78 = arith.constant 0 : i32
        %dma_start3A_79 = arith.constant 0 : i32
        %dma_start3A_80 = tpu.memref_slice %arg2[%dma_start3A_78, %dma_start3A_79] : memref<12288x3136xf32, #tpu.memory_space<hbm>> -> memref<12288x3136xf32, #tpu.memory_space<hbm>>
        tpu.enqueue_indirect_dma source(%dma_start3A_80 : memref<12288x3136xf32, #tpu.memory_space<hbm>>) target(%arg6 : memref<16x3136xf32, #tpu.memory_space<vmem>>) offsets(%dma_start3A_77 : memref<16xi32, #tpu.memory_space<vmem>>) semaphore(%arg8 : memref<!tpu.dma_semaphore, #tpu.memory_space<semaphore_mem>>)
      } else {
      }
      %dma_wait3A_60 = arith.constant 0 : i32
      %dma_wait3A_61 = tpu.memref_slice %arg5[%add3A_47, %dma_wait3A_60] : memref<24x16xi32, #tpu.memory_space<vmem>> -> memref<1x16xi32, #tpu.memory_space<vmem>>
      %dma_wait3A_62 = tpu.memref_squeeze %dma_wait3A_61 : memref<1x16xi32, #tpu.memory_space<vmem>> -> memref<16xi32, #tpu.memory_space<vmem>>
      %dma_wait3A_63 = arith.constant 0 : i32
      %dma_wait3A_64 = arith.constant 0 : i32
      %dma_wait3A_65 = tpu.memref_slice %arg2[%dma_wait3A_63, %dma_wait3A_64] : memref<12288x3136xf32, #tpu.memory_space<hbm>> -> memref<12288x3136xf32, #tpu.memory_space<hbm>>
      tpu.wait_indirect_dma semaphore(%arg9 : memref<!tpu.dma_semaphore, #tpu.memory_space<semaphore_mem>>) src(%dma_wait3A_65 : memref<12288x3136xf32, #tpu.memory_space<hbm>>) dst(%arg7 : memref<16x3136xf32, #tpu.memory_space<vmem>>)
      %mul3A_66 = arith.constant 16 : i32
      %mul3A_67 = arith.muli %add3A_47, %mul3A_66 : i32
      %add3A_68 = arith.addi %mul3A_2, %mul3A_67 : i32
      %dma_start3A_69 = arith.constant 0 : i32
      %dma_start3A_70 = tpu.memref_slice %arg4[%add3A_68, %dma_start3A_69] : memref<12288x3136xf32, #tpu.memory_space<hbm>> -> memref<16x3136xf32, #tpu.memory_space<hbm>>
      %dma_start3A_71 = arith.constant 0 : i32
      %dma_start3A_72 = tpu.memref_slice %arg4[%add3A_68, %dma_start3A_71] : memref<12288x3136xf32, #tpu.memory_space<hbm>> -> memref<16x3136xf32, #tpu.memory_space<hbm>>
      tpu.enqueue_dma source(%arg7 : memref<16x3136xf32, #tpu.memory_space<vmem>>) target(%dma_start3A_72 : memref<16x3136xf32, #tpu.memory_space<hbm>>) target_semaphore(%arg11 : memref<!tpu.dma_semaphore, #tpu.memory_space<semaphore_mem>>)
    }
    %scan3A_12 = arith.constant 12 : i32
    %add3A_13 = arith.constant 368 : i32
    %add3A_14 = arith.addi %mul3A_2, %add3A_13 : i32
    %dma_wait3A = arith.constant 0 : i32
    %dma_wait3A_15 = tpu.memref_slice %arg4[%add3A_14, %dma_wait3A] : memref<12288x3136xf32, #tpu.memory_space<hbm>> -> memref<16x3136xf32, #tpu.memory_space<hbm>>
    %dma_wait3A_16 = arith.constant 0 : i32
    %dma_wait3A_17 = tpu.memref_slice %arg4[%add3A_14, %dma_wait3A_16] : memref<12288x3136xf32, #tpu.memory_space<hbm>> -> memref<16x3136xf32, #tpu.memory_space<hbm>>
    tpu.wait_dma2 semaphore(%arg11 : memref<!tpu.dma_semaphore, #tpu.memory_space<semaphore_mem>>) src(%arg7 : memref<16x3136xf32, #tpu.memory_space<vmem>>) dst(%dma_wait3A_17 : memref<16x3136xf32, #tpu.memory_space<hbm>>)
    return
  }
}

</mosaic_0001>

<sc_bundles>
// kernel: kernel.3.cloned.1.call-start
scs
__scs_entry_jumppad:
0x0: {  	(pc) =	sbr.rel $0x88, $3  }
0x1: {  	(tag) =	ssettag $0x0;
	lr =	simm.s32 $0x1  }
0x2: {  	[smem:$0x3FA0] =	sst lr;
	_ =	strace $0xD0000000  }
0x3: {  	_ = 	snop  }
0x4: {  	_ = 	snop  }
0x5: {  	_ = 	snop  }
0x6: {  	_ = 	snop  }
0x7: {  	_ = 	snop  }
__scs_overlays_trampoline_lowered:
0x8: {  	[smem:$0x3FAF] =	sst s0  }
0x9: {  	[smem:$0x3FB0] =	sst s1  }
0xa: {  	[smem:$0x3FB1] =	sst s2  }
0xb: {  	[smem:$0x3FB2] =	sst s3  }
0xc: {  	[smem:$0x3FB3] =	sst s4  }
0xd: {  	[smem:$0x3FB4] =	sst s5  }
0xe: {  	[smem:$0x3FB5] =	sst s6  }
0xf: {  	[smem:$0x3FB6] =	sst s7  }
0x10: {  	[smem:$0x3FB7] =	sst s8  }
0x11: {  	[smem:$0x3FB8] =	sst s9;
	s0 =	simm.s32 @!p0 $0x0  }
0x12: {  	s1 =	sld [smem:$0x3F9E];
	s0 =	simm.s32 @p0 $0x1  }
0x13: {  	[smem:$0x3FB9] =	sst s0;
	s0 =	simm.s32 @!p1 $0x0  }
0x14: {  	s2 =	sld [smem:$0x3F9D];
	s0 =	simm.s32 @p1 $0x1  }
0x15: {  	[smem:$0x3FBA] =	sst s0;
	s0 =	simm.s32 @!p2 $0x0  }
0x16: {  	s3 =	sld [smem:$0x3FDB];
	s0 =	simm.s32 @p2 $0x1  }
0x17: {  	s4 =	simm.s32 $0x1BF5;
	[smem:$0x3FBC] =	sst s0  }
0x18: {  	s0 =	sld [smem:$0x3F9F];
	_ =	swait.ge [sflag:s4], $0x0  }
0x19: {  	s7 =	sld [smem:$0x3FA0]  }
0x1a: {  	s8 =	sadd.s32 $0xFFFFE003, lr  }
0x1b: {  	s9 =	sadd.s32 $0xFFFFFEF7, lr;
	s5 =	simm.s32 $0xFFFFFFFF;
	p2 =	slt.u32 s8, $0xFFFFF086  }
0x1c: {  	p1 =	slt.u32 s9, $0xF7A;
	s5 =	simm.s32 @!p2 $0x0  }
0x1d: {  	s5 =	simm.s32 @p1 $0x1;
	p0 =	seq.s32 s7, s2  }
0x1e: {  	s7 =	smul.u32 @!p0 $0xF7A, s2;
	p2 =	seq.s32 @!p0 s5, $0x0  }
0x1f: {  	s9 =	smul.u32 $0xF7A, s1;
	s8 =	simm.s32 @!p0 $0x1BF5;
	p2 =	por !p2, p0  }
0x20: {  	[sflag:s8] =	ssyncset.s32 @!p0 $0xFFFFF086;
	s6 =	sadd.s32 @!p0 s3, s7;
	s7 =	simm.s32 @!p0 $0x108  }
0x21: {  	s3 =	sadd.s32 s3, s9;
	s6 =	sadd.s32 @!p0 $0x88, s6;
	s7 =	simm.s32 @p2 $0x1082  }
0x22: {  	[simem:s7], [sflag:s8] =	dma.local @!p0 [hbm:s6], $0xF7A  }
0x23: {  	s9 =	sor.u32 $0xD0000000, s2;
	s6 =	simm.s32 $0x108;
	_ =	swait.ge @!p0 [sflag:s8], $0x0  }
0x24: {  	s3 =	sadd.s32 $0x88, s3;
	s6 =	simm.s32 @!p1 $0x1082;
	[sflag:s4] =	ssyncset.s32 $0xFFFFF086  }
0x25: {  	[simem:s6], [sflag:s4] =	dma.local [hbm:s3], $0xF7A  }
0x26: {  	[smem:$0x3FA0] =	sst s1;
	(tag) =	ssettag s2;
	_ =	strace s9  }
0x27: {  	s1 =	sld [smem:$0x3FB0]  }
0x28: {  	s2 =	sld [smem:$0x3FB1]  }
0x29: {  	s4 =	sld [smem:$0x3FB3]  }
0x2a: {  	p0 =	seq.s32 s5, $0x0;
	s5 =	sld [smem:$0x3FB4]  }
0x2b: {  	s6 =	sld [smem:$0x3FB5]  }
0x2c: {  	s7 =	sld [smem:$0x3FB6]  }
0x2d: {  	s3 =	simm.s32 $0x108;
	s8 =	sld [smem:$0x3FB7]  }
0x2e: {  	s3 =	simm.s32 @!p0 $0x1082;
	s9 =	sld [smem:$0x3FB8]  }
0x2f: {  	lr =	sadd.s32 s0, s3;
	s0 =	sld [smem:$0x3FAF]  }
0x30: {  	s3 =	sld [smem:$0x3FB2]  }
0x31: {  	[smem:$0x3FBB] =	sst s10  }
0x32: {  	s10 =	sld [smem:$0x3FB9];
	_ =	sdelay $0x3  }
0x33: {  	p0 =	seq.s32 s10, $0x1;
	s10 =	sld [smem:$0x3FBB];
	_ =	sdelay $0x3  }
0x34: {  	[smem:$0x3FBB] =	sst s10  }
0x35: {  	s10 =	sld [smem:$0x3FBA];
	_ =	sdelay $0x3  }
0x36: {  	p1 =	seq.s32 s10, $0x1;
	s10 =	sld [smem:$0x3FBB];
	_ =	sdelay $0x3  }
0x37: {  	[smem:$0x3FBB] =	sst s10  }
0x38: {  	s10 =	sld [smem:$0x3FBC]  }
0x39: {  	_ = 	snop;
	(pc) =	sbr.ind lr, $3  }
0x3a: {  	_ = 	snop  }
0x3b: {  	_ = 	snop  }
0x3c: {  	p2 =	seq.s32 s10, $0x1;
	s10 =	sld [smem:$0x3FBB]  }
0x3d: {  	_ =	shalt  }
0x3e: {  	_ =	shalt  }
0x3f: {  	_ =	shalt  }
0x40: {  	_ =	shalt  }
0x41: {  	_ =	shalt  }
0x42: {  	_ =	shalt  }
0x43: {  	_ =	shalt  }
0x44: {  	_ =	shalt  }
0x45: {  	_ =	shalt  }
0x46: {  	_ =	shalt  }
0x47: {  	_ =	shalt  }
0x48: {  	_ =	shalt  }
0x49: {  	_ =	shalt  }
0x4a: {  	_ =	shalt  }
0x4b: {  	_ =	shalt  }
0x4c: {  	_ =	shalt  }
0x4d: {  	_ =	shalt  }
0x4e: {  	_ =	shalt  }
0x4f: {  	_ =	shalt  }
0x50: {  	_ =	shalt  }
0x51: {  	_ =	shalt  }
0x52: {  	_ =	shalt  }
0x53: {  	_ =	shalt  }
0x54: {  	_ =	shalt  }
0x55: {  	_ =	shalt  }
0x56: {  	_ =	shalt  }
0x57: {  	_ =	shalt  }
0x58: {  	_ =	shalt  }
0x59: {  	_ =	shalt  }
0x5a: {  	_ =	shalt  }
0x5b: {  	_ =	shalt  }
0x5c: {  	_ =	shalt  }
0x5d: {  	_ =	shalt  }
0x5e: {  	_ =	shalt  }
0x5f: {  	_ =	shalt  }
0x60: {  	_ =	shalt  }
0x61: {  	_ =	shalt  }
0x62: {  	_ =	shalt  }
0x63: {  	_ =	shalt  }
0x64: {  	_ =	shalt  }
0x65: {  	_ =	shalt  }
0x66: {  	_ =	shalt  }
0x67: {  	_ =	shalt  }
0x68: {  	_ =	shalt  }
0x69: {  	_ =	shalt  }
0x6a: {  	_ =	shalt  }
0x6b: {  	_ =	shalt  }
0x6c: {  	_ =	shalt  }
0x6d: {  	_ =	shalt  }
0x6e: {  	_ =	shalt  }
0x6f: {  	_ =	shalt  }
0x70: {  	_ =	shalt  }
0x71: {  	_ =	shalt  }
0x72: {  	_ =	shalt  }
0x73: {  	_ =	shalt  }
0x74: {  	_ =	shalt  }
0x75: {  	_ =	shalt  }
0x76: {  	_ =	shalt  }
0x77: {  	_ =	shalt  }
0x78: {  	_ =	shalt  }
0x79: {  	_ =	shalt  }
0x7a: {  	_ =	shalt  }
0x7b: {  	_ =	shalt  }
0x7c: {  	_ =	shalt  }
0x7d: {  	_ =	shalt  }
0x7e: {  	_ =	shalt  }
0x7f: {  	_ =	shalt  }
0x80: {  	_ =	shalt  }
0x81: {  	_ =	shalt  }
0x82: {  	_ =	shalt  }
0x83: {  	_ =	shalt  }
0x84: {  	_ =	shalt  }
0x85: {  	_ =	shalt  }
0x86: {  	_ =	shalt  }
0x87: {  	_ =	shalt  }
.Lfunc_end0:
.L_simem_size_0:
called_computation.2_lowered:
.L_overlay_start_0:
0x88: {  	s2 =	sld [smem:$0x3FD9]  }
0x89: {  	s3 =	sld [smem:$0x3FFE];
	_ =	sdelay $0x1  }
0x8a: {  	s1 =	srdreg.scid  }
0x8b: {  	s0 =	sand.u32 $0x1, s1  }
0x8c: {  	s17 =	sshll.u32 s0, $0xA;
	s2 =	sadd.s32 s3, s2  }
0x8d: {  	s2 =	sadd.s32 s2, s17  }
0x8e: {  	[smem:$0x3FC7] =	sst s2  }
0x8f: {  	_ = 	snop  }
0x90: {  	s2 =	sld [smem:$0x3FD0];
	(tm) =	ssettm $0x1  }
0x91: {  	s18 =	sld [smem:$0x3FFB];
	_ =	sdelay $0x3  }
0x92: {  	_ =	strace s18  }
0x93: {  	s3 =	sld [smem:$0x3FFC];
	_ =	sdelay $0x3  }
0x94: {  	_ =	strace s3  }
0x95: {  	s3 =	sld [smem:$0x3FFD];
	_ =	sdelay $0x3  }
0x96: {  	_ =	strace s3  }
0x97: {  	_ =	strace $0x8FFFFFFF  }
0x98: {  	s19 =	sld [smem:$0x3FDB];
	_ =	sdelay $0x1  }
0x99: {  	s4 =	simm.s32 $_scs_section_size  }
0x9a: {  	s5 =	simm.s32 $_size__tile_overlayer_lowered;
	s6 =	simm.s32 $_tile_overlayer_lowered  }
0x9b: {  	s22 =	simm.s32 $0x1BFF;
	s21 =	sshll.u32 s6, $0x1;
	s3 =	sadd.s32 s4, s19  }
0x9c: {  	s7 =	simm.s32 $0x0;
	s20 =	sshll.u32 s5, $0x1;
	s5 =	sadd.s32 s21, s3  }
0x9d: {  	[timem:s7], [sflag:s22] =	dma.local [hbm:s5], s20  }
0x9e: {  	_ =	swait.ge [sflag:s22], s20  }
0x9f: {  	s4 =	ssub.s32 $0x0, s20;
	[sflag:s22] =	ssyncset.done $0x0  }
0xa0: {  	[sflag:s22] =	ssyncadd.s32 s4;
	_ =	sdelay $0x1  }
0xa1: {  	s23 =	simm.s32 $0x1B8B  }
0xa2: {  	_ =	swait.ge [sflag:s23], $0x1  }
0xa3: {  	[sflag:s23] =	ssyncset.done $0x0  }
0xa4: {  	s25 =	simm.s32 $0x1B8E;
	s24 =	sld [smem:$0x3FFE];
	[sflag:s23] =	ssyncadd.s32 $0xFFFFFFFF  }
0xa5: {  	s26 =	simm.s32 $execute0_lowered;
	[smem:$0x3FD2] =	sst s25  }
0xa6: {  	s5 =	sshll.u32 s26, $0x1;
	_ =	strace $0x80000049;
	[dreg:$0x1] =	wrdreg $0xFFFFFFFF  }
0xa7: {  	s28 =	simm.s32 $_size_execute0_lowered;
	s3 =	sadd.s32 s3, s5;
	[dreg:$0x0] =	wrdreg $0x0  }
0xa8: {  	s5 =	sshll.u32 s28, $0x1;
	[dreg:$0x2] =	wrdreg s3  }
0xa9: {  	[dreg:$0x3] =	wrdreg s5  }
0xaa: {  	[dreg:$0x4] =	wrdreg $0xC0  }
0xab: {  	_ =	task [dreg:s7], $0x5FFFF  }
0xac: {  	[dreg:$0x1] =	wrdreg $0xFFFFFFFF  }
0xad: {  	[dreg:$0x0] =	wrdreg $0x60  }
0xae: {  	[dreg:$0x2] =	wrdreg s2  }
0xaf: {  	[dreg:$0x3] =	wrdreg s24  }
0xb0: {  	[dreg:$0x4] =	wrdreg $0x9  }
0xb1: {  	_ =	task.clear_ibuf [dreg:s7], $0x5FFFF;
	_ =	strace $0x90000049  }
0xb2: {  	s29 =	simm.s32 $0x9;
	_ =	strace $0x8000004B  }
0xb3: {  	_ =	swait.ge [sflag:s29], $0x1  }
0xb4: {  	[sflag:s29] =	ssyncadd.s32 $0xFFFFFFFF  }
0xb5: {  	_ =	strace $0x9000004B  }
0xb6: {  	_ =	sfence  }
0xb7: {  	s30 =	sld [smem:$0x0];
	_ =	sdelay $0x2  }
0xb8: {  	s31 =	sshll.u32 s1, $0xD;
	s1 =	sshrl.u32 s1, $0x2  }
0xb9: {  	s3 =	sand.u32 $0x4000, s31;
	s1 =	sadd.s32 s1, s30  }
0xba: {  	s0 =	sor.u32 s3, s0;
	s1 =	sshll.u32 s1, $0x11  }
0xbb: {  	s0 =	sor.u32 s1, s0  }
0xbc: {  	s0 =	sadd.s32 $0x8F2B, s0  }
0xbd: {  	[sflag:s0] =	ssyncadd.remote.s32 $0x1  }
0xbe: {  	_ =	sfence.sel $0xFFFF  }
0xbf: {  	[dreg:$0x0] =	wrdreg $0xFFFFFFFF;
	(pc) =	sbr.abs _section_cstart, $3  }
0xc0: {  	[dreg:$0x1] =	wrdreg $0xFFFFFFFF  }
0xc1: {  	_ =	task.clear_ibuf [dreg:s7], $0x2FFFF;
	_ =	strace $0x9FFFFFFF  }
0xc2: {  	(tm) =	ssettm $0x7FFFFFFF  }
0xc3: {  	_ =	shalt  }
tec
execute0_lowered:
.L_overlay_start_1:
0x0: {  	(tag) =	ssettag $0x1  }
0x1: {  	s1 =	srdreg.scid;
	s2 =	rddreg [dreg:$0x0]  }
0x2: {  	s0 =	stileid.u32;
	s4 =	rddreg [dreg:$0x1];
	s3 =	simm.s32 $0x0  }
0x3: {  	s12 =	simm.s32 $0x10;
	s13 =	simm.s32 $0x180;
	s14 =	simm.s32 $0xC580  }
0x4: {  	s15 =	simm.s32 $0x1;
	s16 =	simm.s32 $0x3;
	s17 =	simm.s32 $0x20  }
0x5: {  	s18 =	simm.s32 $0x2;
	s19 =	simm.s32 $0x4;
	s20 =	simm.s32 $0x170  }
0x6: {  	s21 =	simm.s32 $0x0;
	s6 =	sand.u32 $0x1, s1;
	s30 =	sshll.u32 s0, $0x1  }
0x7: {  	s1 =	rddreg [dreg:$0x2];
	s31 =	smul.u32 $0x49800, s0;
	s5 =	sor.u32 s6, s30  }
0x8: {  	[smem:$0x7FF] =	sst s3;
	s8 =	ssub.s32 $0x2, s6;
	s7 =	smul.u32 $0x180, s5  }
0x9: {  	s10 =	sadd.s32 $0xE00, s4;
	s9 =	sshrl.u32 s8, $0x1;
	s5 =	smul.u32 $0x24C00, s5  }
0xa: {  	_ =	strace $0x8000004A;
	s11 =	smul.u32 $0x24C00, s6;
	s8 =	ssub.s32 s8, s9  }
0xb: {  	s7 =	sshrl.u32 s7, $0x3;
	s5 =	sadd.s32 s10, s5;
	s6 =	smax.u32 s8, $0x1  }
0xc: {  	s10 =	sadd.s32 s31, s10;
	s7 =	sadd.s32 s7, s4;
	s8 =	sadd.s32 $0x21B00, s5  }
0xd: {  	s9 =	sadd.s32 $0x23380, s5;
	s10 =	sadd.s32 s11, s10;
	s11 =	simm.s32 $0x5  }
0xe: {  	s4 =	sadd.s32 $0xA80E00, s7;
	s7 =	sadd.s32 $0x1880, s5;
	s10 =	sadd.s32 $0x3100, s10  }
.LBB2_1:
0xf: {  	[tilespmem:s3], [sflag:$0x5] =	stream.linear.gather [hbm4b:s4+s3], $0x180, $0x38;
	[tilespmem:$0x18980] =	vst v63  }
0x10: {  	_ =	swait.ge [sflag:s11], $0x180  }
0x11: {  	[sflag:s11] =	ssyncset.done $0x0  }
0x12: {  	[sflag:s11] =	ssyncadd.s32 $0xFFFFFE80  }
0x13: {  	[tilespmem:s13], [sflag:$0x1] =	stream.indirect.gather [hbm4b:s2+s12], $0xC40, s3, s12, $0xb8;
	[tilespmem:$0x18980] =	vst v63  }
0x14: {  	_ = 	snop  }
0x15: {  	[tilespmem:s14], [sflag:$0x2] =	stream.indirect.gather [hbm4b:s2+s12], $0xC40, s12, s12, $0xb8;
	[tilespmem:$0x18980] =	vst v63  }
0x16: {  	_ =	swait.ge [sflag:s15], $0xC400  }
0x17: {  	[sflag:s15] =	ssyncset.done $0x0  }
0x18: {  	[sflag:s15] =	ssyncadd.s32 $0xFFFF3C00  }
0x19: {  	[hbm4b:s5+s3] =	stream.linear.scatter [tilespmem:s13], [sflag:$0x3], $0xC400, $0x38;
	[tilespmem:$0x18980] =	vst v63  }
0x1a: {  	_ =	swait.ge [sflag:s16], $0xC400  }
0x1b: {  	[sflag:s16] =	ssyncset.done $0x0  }
0x1c: {  	[sflag:s16] =	ssyncadd.s32 $0xFFFF3C00  }
0x1d: {  	[tilespmem:s13], [sflag:$0x1] =	stream.indirect.gather [hbm4b:s2+s12], $0xC40, s17, s12, $0xb8;
	[tilespmem:$0x18980] =	vst v63  }
0x1e: {  	_ =	swait.ge [sflag:s18], $0xC400  }
0x1f: {  	[sflag:s18] =	ssyncset.done $0x0  }
0x20: {  	[sflag:s18] =	ssyncadd.s32 $0xFFFF3C00  }
0x21: {  	[hbm4b:s7+s3] =	stream.linear.scatter [tilespmem:s14], [sflag:$0x4], $0xC400, $0x38;
	[tilespmem:$0x18980] =	vst v63  }
0x22: {  	_ =	swait.ge [sflag:s19], $0xC400  }
0x23: {  	[sflag:s19] =	ssyncset.done $0x0  }
0x24: {  	s22 =	simm.s32 $0x30;
	[sflag:s19] =	ssyncadd.s32 $0xFFFF3C00  }
0x25: {  	[tilespmem:s14], [sflag:$0x2] =	stream.indirect.gather [hbm4b:s2+s12], $0xC40, s22, s12, $0xb8;
	[tilespmem:$0x18980] =	vst v63  }
0x26: {  	_ =	swait.ge [sflag:s15], $0xC400  }
0x27: {  	[sflag:s15] =	ssyncset.done $0x0  }
0x28: {  	[sflag:s15] =	ssyncadd.s32 $0xFFFF3C00  }
0x29: {  	[hbm4b:s10+s3] =	stream.linear.scatter [tilespmem:s13], [sflag:$0x3], $0xC400, $0x38;
	[tilespmem:$0x18980] =	vst v63  }
0x2a: {  	_ =	swait.ge [sflag:s16], $0xC400  }
0x2b: {  	[sflag:s16] =	ssyncset.done $0x0  }
0x2c: {  	s31 =	simm.s32 $0x40;
	[sflag:s16] =	ssyncadd.s32 $0xFFFF3C00  }
0x2d: {  	[tilespmem:s13], [sflag:$0x1] =	stream.indirect.gather [hbm4b:s2+s12], $0xC40, s31, s12, $0xb8;
	[tilespmem:$0x18980] =	vst v63  }
0x2e: {  	_ =	swait.ge [sflag:s18], $0xC400  }
0x2f: {  	s24 =	sadd.s32 $0x1880, s10;
	[sflag:s18] =	ssyncset.done $0x0  }
0x30: {  	s23 =	sadd.s32 $0x3100, s10;
	s22 =	simm.s32 $0x80;
	[sflag:s18] =	ssyncadd.s32 $0xFFFF3C00  }
.LBB2_2:
0x31: {  	[hbm4b:s24+s3] =	stream.linear.scatter [tilespmem:s14], [sflag:$0x4], $0xC400, $0x38;
	[tilespmem:$0x18980] =	vst v63  }
0x32: {  	s24 =	smov.u32 s22  }
0x33: {  	p0 =	sne.s32 s22, $0x480;
	s22 =	sadd.s32 $0x80, s22;
	_ =	swait.ge [sflag:s19], $0xC400  }
0x34: {  	s24 =	sshra.s32 s24, $0x2;
	[sflag:s19] =	ssyncset.done $0x0  }
0x35: {  	s25 =	sadd.s32 $0x30, s24;
	[sflag:s19] =	ssyncadd.s32 $0xFFFF3C00  }
0x36: {  	[tilespmem:s14], [sflag:$0x2] =	stream.indirect.gather [hbm4b:s2+s12], $0xC40, s25, s12, $0xb8;
	[tilespmem:$0x18980] =	vst v63  }
0x37: {  	_ =	swait.ge [sflag:s15], $0xC400  }
0x38: {  	[sflag:s15] =	ssyncset.done $0x0  }
0x39: {  	[sflag:s15] =	ssyncadd.s32 $0xFFFF3C00  }
0x3a: {  	[hbm4b:s23+s3] =	stream.linear.scatter [tilespmem:s13], [sflag:$0x3], $0xC400, $0x38;
	[tilespmem:$0x18980] =	vst v63  }
0x3b: {  	_ =	swait.ge [sflag:s16], $0xC400  }
0x3c: {  	[sflag:s16] =	ssyncset.done $0x0  }
.Ltmp0:
0x3d: {  	s24 =	sadd.s32 $0x40, s24;
	[sflag:s16] =	ssyncadd.s32 $0xFFFF3C00;
	(pc) =	sbr.rel @p0 .LBB2_2-.Ltmp0, $4  }
0x3e: {  	[tilespmem:s13], [sflag:$0x1] =	stream.indirect.gather [hbm4b:s2+s12], $0xC40, s24, s12, $0xb8;
	[tilespmem:$0x18980] =	vst v63  }
0x3f: {  	_ =	swait.ge [sflag:s18], $0xC400  }
0x40: {  	[sflag:s18] =	ssyncset.done $0x0  }
0x41: {  	s24 =	sadd.s32 $0x1880, s23;
	s23 =	sadd.s32 $0x3100, s23;
	[sflag:s18] =	ssyncadd.s32 $0xFFFF3C00  }
0x42: {  	[hbm4b:s24+s3] =	stream.linear.scatter [tilespmem:s14], [sflag:$0x4], $0xC400, $0x38;
	[tilespmem:$0x18980] =	vst v63  }
0x43: {  	_ =	swait.ge [sflag:s19], $0xC400  }
0x44: {  	[sflag:s19] =	ssyncset.done $0x0  }
0x45: {  	[sflag:s19] =	ssyncadd.s32 $0xFFFF3C00  }
0x46: {  	[tilespmem:s14], [sflag:$0x2] =	stream.indirect.gather [hbm4b:s2+s12], $0xC40, s20, s12, $0xb8;
	[tilespmem:$0x18980] =	vst v63  }
0x47: {  	_ =	swait.ge [sflag:s15], $0xC400  }
0x48: {  	[sflag:s15] =	ssyncset.done $0x0  }
0x49: {  	[sflag:s15] =	ssyncadd.s32 $0xFFFF3C00  }
0x4a: {  	[hbm4b:s8+s3] =	stream.linear.scatter [tilespmem:s13], [sflag:$0x3], $0xC400, $0x38;
	[tilespmem:$0x18980] =	vst v63  }
0x4b: {  	_ =	swait.ge [sflag:s16], $0xC400  }
0x4c: {  	[sflag:s16] =	ssyncset.done $0x0  }
0x4d: {  	[sflag:s16] =	ssyncadd.s32 $0xFFFF3C00  }
0x4e: {  	s21 =	sadd.s32 $0x1, s21;
	_ =	swait.ge [sflag:s18], $0xC400  }
0x4f: {  	p0 =	sne.s32 s21, s6;
	[sflag:s18] =	ssyncset.done $0x0  }
.Ltmp1:
0x50: {  	[sflag:s18] =	ssyncadd.s32 $0xFFFF3C00;
	(pc) =	sbr.rel @p0 .LBB2_1-.Ltmp1, $4  }
0x51: {  	[hbm4b:s9+s3] =	stream.linear.scatter [tilespmem:s14], [sflag:$0x4], $0xC400, $0x38;
	[tilespmem:$0x18980] =	vst v63  }
0x52: {  	_ =	swait.ge [sflag:s19], $0xC400  }
0x53: {  	[sflag:s19] =	ssyncset.done $0x0  }
0x54: {  	[sflag:s19] =	ssyncadd.s32 $0xFFFF3C00  }
0x55: {  	_ =	sfence.sel $0x180000  }
0x56: {  	[bflag:$0x0] =	sbarrier.arrive $0xFFFF  }
0x57: {  	p0 =	sne.s32 s0, $0x0;
	_ =	strace $0x9000004A  }
0x58: {  	s0 =	sadd.s32 @!p0 $0x100000, s1;
	[bflag:$0x2] =	sbarrier.arrive $0xFFFF  }
0x59: {  	[sflag:s0] =	ssyncadd.tile.s32 @!p0 $0x1;
	_ =	shalt  }
.Lfunc_end2:
_tile_overlayer_lowered:
.L_overlay_start_2:
0x5a: {  	(tag) =	ssettag $0x2  }
0x5b: {  	s0 =	rddreg [dreg:$0x0];
	s2 =	stileid.u32  }
0x5c: {  	s1 =	rddreg [dreg:$0x1];
	p0 =	sne.s32 s2, $0x0  }
0x5d: {  	s3 =	rddreg [dreg:$0x2];
	[bflag:$0x3] =	sbarrier.arrive $0xFFFF;
	s2 =	simm.s32 @!p0 $0x1C05  }
0x5e: {  	[timem:s3], [sflag:s2] =	dma.local @!p0 [hbm:s0], s1  }
0x5f: {  	s0 =	simm.s32 @!p0 $0x5  }
0x60: {  	_ =	swait.ge @!p0 [sflag:s0], s1  }
0x61: {  	s1 =	ssub.s32 @!p0 $0x0, s1;
	[sflag:s0] =	ssyncset.done @!p0 $0x0  }
0x62: {  	[sflag:s0] =	ssyncadd.s32 @!p0 s1  }
0x63: {  	[bflag:$0x3] =	sbarrier.arrive $0xFFFF  }
0x64: {  	_ =	shalt  }

// kernel: sparse-core-data-format-call.1.cloned.1.call-start
scs
called_computation.1_lowered:
.L_overlay_start_0:
0x0: {  	s2 =	sld [smem:$0x3FD9]  }
0x1: {  	s3 =	sld [smem:$0x3FFE];
	_ =	sdelay $0x1  }
0x2: {  	s1 =	srdreg.scid  }
0x3: {  	s0 =	sand.u32 $0x1, s1  }
0x4: {  	s18 =	sshll.u32 s0, $0xA;
	s2 =	sadd.s32 s3, s2  }
0x5: {  	s2 =	sadd.s32 s2, s18  }
0x6: {  	[smem:$0x3FC7] =	sst s2  }
0x7: {  	_ = 	snop  }
0x8: {  	s2 =	sld [smem:$0x3FC9];
	(tm) =	ssettm $0x1  }
0x9: {  	s19 =	sld [smem:$0x3FFB];
	_ =	sdelay $0x3  }
0xa: {  	_ =	strace s19  }
0xb: {  	s3 =	sld [smem:$0x3FFC];
	_ =	sdelay $0x3  }
0xc: {  	_ =	strace s3  }
0xd: {  	s3 =	sld [smem:$0x3FFD];
	_ =	sdelay $0x3  }
0xe: {  	_ =	strace s3  }
0xf: {  	_ =	strace $0x8FFFFFFF  }
0x10: {  	s20 =	sld [smem:$0x3FDB];
	_ =	sdelay $0x1  }
0x11: {  	s4 =	simm.s32 $_scs_section_size  }
0x12: {  	s5 =	simm.s32 $_size__tile_overlayer_lowered;
	s6 =	simm.s32 $_tile_overlayer_lowered  }
0x13: {  	s23 =	simm.s32 $0x1BFF;
	s22 =	sshll.u32 s6, $0x1;
	s3 =	sadd.s32 s4, s20  }
0x14: {  	s7 =	simm.s32 $0x0;
	s21 =	sshll.u32 s5, $0x1;
	s5 =	sadd.s32 s22, s3  }
0x15: {  	[timem:s7], [sflag:s23] =	dma.local [hbm:s5], s21  }
0x16: {  	_ =	swait.ge [sflag:s23], s21  }
0x17: {  	s4 =	ssub.s32 $0x0, s21;
	[sflag:s23] =	ssyncset.done $0x0  }
0x18: {  	[sflag:s23] =	ssyncadd.s32 s4;
	_ =	sdelay $0x1  }
0x19: {  	s24 =	simm.s32 $0x1B8B  }
0x1a: {  	_ =	swait.ge [sflag:s24], $0x1  }
0x1b: {  	[sflag:s24] =	ssyncset.done $0x0  }
0x1c: {  	s26 =	simm.s32 $0x1B8E;
	s25 =	sld [smem:$0x3FFE];
	[sflag:s24] =	ssyncadd.s32 $0xFFFFFFFF  }
0x1d: {  	s27 =	simm.s32 $execute0_lowered;
	[smem:$0x3FD2] =	sst s26  }
0x1e: {  	s5 =	sshll.u32 s27, $0x1;
	_ =	strace $0x80000046;
	[dreg:$0x1] =	wrdreg $0xFFFFFFFF  }
0x1f: {  	s28 =	simm.s32 $_size_execute0_lowered;
	s3 =	sadd.s32 s3, s5;
	[dreg:$0x0] =	wrdreg $0x0  }
0x20: {  	s5 =	sshll.u32 s28, $0x1;
	[dreg:$0x2] =	wrdreg s3  }
0x21: {  	[dreg:$0x3] =	wrdreg s5  }
0x22: {  	[dreg:$0x4] =	wrdreg $0xC0  }
0x23: {  	_ =	task [dreg:s7], $0x5FFFF  }
0x24: {  	[dreg:$0x1] =	wrdreg $0xFFFFFFFF  }
0x25: {  	[dreg:$0x0] =	wrdreg $0x60  }
0x26: {  	[dreg:$0x2] =	wrdreg s2  }
0x27: {  	[dreg:$0x3] =	wrdreg s25  }
0x28: {  	[dreg:$0x4] =	wrdreg $0x9  }
0x29: {  	_ =	task.clear_ibuf [dreg:s7], $0x5FFFF;
	_ =	strace $0x90000046  }
0x2a: {  	s29 =	simm.s32 $0x9;
	_ =	strace $0x80000048  }
0x2b: {  	_ =	swait.ge [sflag:s29], $0x1  }
0x2c: {  	[sflag:s29] =	ssyncadd.s32 $0xFFFFFFFF  }
0x2d: {  	_ =	strace $0x90000048  }
0x2e: {  	_ =	sfence  }
0x2f: {  	s30 =	sld [smem:$0x0];
	_ =	sdelay $0x2  }
0x30: {  	s31 =	sshll.u32 s1, $0xD;
	s1 =	sshrl.u32 s1, $0x2  }
0x31: {  	s3 =	sand.u32 $0x4000, s31;
	s1 =	sadd.s32 s1, s30  }
0x32: {  	s0 =	sor.u32 s3, s0;
	s1 =	sshll.u32 s1, $0x11  }
0x33: {  	s0 =	sor.u32 s1, s0  }
0x34: {  	s0 =	sadd.s32 $0x8F2B, s0  }
0x35: {  	[sflag:s0] =	ssyncadd.remote.s32 $0x1  }
0x36: {  	_ =	sfence.sel $0xFFFF  }
0x37: {  	[dreg:$0x0] =	wrdreg $0xFFFFFFFF;
	(pc) =	sbr.abs _section_cstart, $3  }
0x38: {  	[dreg:$0x1] =	wrdreg $0xFFFFFFFF  }
0x39: {  	_ =	task.clear_ibuf [dreg:s7], $0x2FFFF;
	_ =	strace $0x9FFFFFFF  }
0x3a: {  	(tm) =	ssettm $0x7FFFFFFF  }
0x3b: {  	_ =	shalt  }
tec
execute0_lowered:
.L_overlay_start_1:
0x0: {  	(tag) =	ssettag $0x1  }
0x1: {  	s2 =	rddreg [dreg:$0x0]  }
0x2: {  	s1 =	rddreg [dreg:$0x1]  }
0x3: {  	s0 =	rddreg [dreg:$0x2]  }
0x4: {  	s4 =	srdreg.scid;
	_ =	strace $0x80000047;
	s6 =	simm.s32 $0x2  }
0x5: {  	s14 =	simm.s32 $0x0;
	p0 =	por $0x0, $0x0;
	s7 =	simm.s32 $0x1C00  }
0x6: {  	s13 =	simm.s32 $0x0;
	s16 =	simm.s32 $0x0;
	s15 =	simm.s32 $0x0  }
.Ltmp0:
0x7: {  	s9 =	simm.s32 $0x0;
	s10 =	simm.s32 $0x0;
	(pc) =	sbr.rel .LBB1_1-.Ltmp0, $4  }
0x8: {  	s11 =	simm.s32 $0x0;
	s3 =	sadd.s32 $0xE00, s1;
	s4 =	sshll.u32 s4, $0x4  }
0x9: {  	s1 =	stileid.u32;
	s5 =	sand.u32 $0x10, s4;
	s4 =	simm.s32 $0x1  }
0xa: {  	s8 =	simm.s32 $0x0;
	s5 =	sor.u32 s1, s5;
	[sflag:s4] =	ssyncpa.u1 $0x0  }
0xb: {  	[sflag:s6] =	ssyncpa.u1 $0x0;
	s6 =	simm.s32 $0xC00;
	s12 =	smov.u32 s5  }
.LBB1_3:
0xc: {  	p1 =	seq.s32 s8, $0x0  }
0xd: {  	p2 =	seq.s32 @!p1 s8, $0xA9  }
0xe: {  	p1 =	por p1, p2  }
.Ltmp1:
0xf: {  	_ = 	snop;
	(pc) =	sbr.rel @!p1 .LBB1_4-.Ltmp1, $1  }
0x10: {  	_ =	sdelay $0x3  }
.LBB1_7:
0x11: {  	s17 =	sadd.s32 $0x80, s9  }
0x12: {  	s13 =	sadd.s32 $0x40, s10;
	s18 =	smov.u32 s10;
	p2 =	sgt.s32 s17, $0x17F  }
0x13: {  	s18 =	smov.u32 @p2 s13  }
0x14: {  	s13 =	simm.s32 $0x1;
	p3 =	sgt.s32 s18, $0x37  }
0x15: {  	s13 =	simm.s32 @!p3 $0x0  }
0x16: {  	s19 =	sadd.s32 s13, s11  }
0x17: {  	s20 =	smov.u32 s12;
	s13 =	sadd.s32 $0x20, s12;
	p4 =	sgt.s32 s19, $0x37  }
0x18: {  	p1 =	slt.u32 s8, $0x2;
	s20 =	smov.u32 @p4 s13  }
0x19: {  	s8 =	sadd.s32 $0x1, s8;
	s17 =	simm.s32 @p2 $0x0;
	p2 =	sgt.s32 s20, $0x1F  }
0x1a: {  	s14 =	smov.u32 s9;
	s20 =	smov.u32 @p2 s5;
	p2 =	sne.s32 s8, $0xAA  }
.Ltmp2:
0x1b: {  	s16 =	smov.u32 s11;
	s21 =	simm.s32 @!p1 $0x2;
	(pc) =	sbr.rel @!p2 .LBB1_8-.Ltmp2, $4  }
0x1c: {  	s15 =	smov.u32 s12;
	p0 =	por !p0, !p0;
	_ =	swait.ge @!p1 [sflag:s21], $0x2000  }
0x1d: {  	[sflag:s21] =	ssyncset.done @!p1 $0x0;
	s9 =	smov.u32 s17;
	s18 =	simm.s32 @p3 $0x0  }
0x1e: {  	[sflag:s21] =	ssyncadd.s32 @!p1 $0xFFFFE000;
	s19 =	simm.s32 @p4 $0x0;
	s13 =	smov.u32 s10  }
0x1f: {  	s10 =	smov.u32 s18;
	s11 =	smov.u32 s19;
	s12 =	smov.u32 s20  }
.LBB1_1:
0x20: {  	p1 =	sgt.u32 s8, $0xA7  }
.Ltmp3:
0x21: {  	_ = 	snop;
	(pc) =	sbr.rel @p1 .LBB1_3-.Ltmp3, $1  }
0x22: {  	_ =	sdelay $0x3  }
0x23: {  	s17 =	sshrl.u32 s10, $0x3  }
0x24: {  	s18 =	sshll.u32 s9, $0x3;
	s17 =	smul.u32 $0xC00, s17  }
0x25: {  	s19 =	sshll.u32 s10, $0x7;
	s18 =	sand.u32 $0xFFFFFC00, s18  }
0x26: {  	s24 =	sand.u32 $0x380, s19;
	s17 =	sadd.s32 s17, s18  }
0x27: {  	s25 =	sand.u32 $0x7F, s9;
	s17 =	sor.u32 s24, s17  }
0x28: {  	p1 =	sgt.s32 s12, $0x1F;
	s20 =	smov.u32 s12;
	s18 =	sor.u32 s25, s17  }
0x29: {  	s21 =	sshra.s32 s12, $0x1F;
	s22 =	sxor.u32 $0xFFFFFFFF, s8;
	s19 =	smulhi.u32 $0xAAAAAAAB, s18  }
0x2a: {  	s28 =	sshra.s32 s11, $0x1F;
	s20 =	simm.s32 @!p1 $0x1F;
	s21 =	sand.u32 s21, s12  }
0x2b: {  	s23 =	sshra.s32 s10, $0x1F;
	s20 =	ssub.s32 s20, s21;
	s19 =	sshrl.u32 s19, $0x8  }
0x2c: {  	s31 =	sshra.s32 s9, $0x1F;
	s27 =	sadd.s32 $0xFFFFFFE1, s20;
	s19 =	smul.u32 $0x180, s19  }
0x2d: {  	s26 =	sshll.u32 s22, $0xD;
	s22 =	sand.u32 s28, s11;
	p1 =	sgt.s32 s27, $0x0  }
0x2e: {  	s17 =	smulhi.u32 $0xAAAAAAAB, s17;
	s18 =	ssub.s32 s18, s19;
	s19 =	ssub.s32 $0x20, s20  }
0x2f: {  	s20 =	smov.u32 s11;
	s19 =	simm.s32 @p1 $0x0;
	p1 =	sgt.s32 s11, $0x37  }
0x30: {  	s23 =	sand.u32 s23, s10;
	s17 =	sshrl.u32 s17, $0x8;
	s20 =	simm.s32 @!p1 $0x37  }
0x31: {  	p1 =	sgt.s32 s10, $0xFFFFFFF8;
	s20 =	ssub.s32 s20, s22;
	s22 =	smov.u32 s10  }
0x32: {  	s29 =	smulhi.u32 $0x4924925, s17;
	s24 =	sadd.s32 $0xFFFFFFC9, s20;
	s22 =	simm.s32 @!p1 $0xFFFFFFF8  }
0x33: {  	s20 =	ssub.s32 $0x38, s20;
	p1 =	sgt.s32 s24, $0x0;
	s22 =	ssub.s32 s22, s23  }
0x34: {  	s23 =	smul.u32 $0x38, s29;
	s20 =	simm.s32 @p1 $0x0;
	s30 =	sadd.s32 $0x8, s22  }
0x35: {  	s19 =	smul.u32 s19, s20;
	p1 =	sgt.s32 s30, $0x3F;
	s20 =	ssub.s32 $0x38, s22  }
0x36: {  	s22 =	smov.u32 s9;
	s20 =	simm.s32 @p1 $0x0;
	p1 =	sgt.s32 s9, $0x100  }
0x37: {  	s27 =	smul.u32 $0xA80, s11;
	s24 =	sand.u32 s31, s9;
	s22 =	simm.s32 @!p1 $0x100  }
0x38: {  	s17 =	ssub.s32 s17, s23;
	s19 =	smul.u32 s20, s19;
	s25 =	ssub.s32 s22, s24  }
0x39: {  	s20 =	sand.u32 $0x2000, s26;
	s26 =	smul.u32 $0x24C00, s12;
	s22 =	sadd.s32 $0xFFFFFF00, s25  }
0x3a: {  	s17 =	smul.u32 $0x30, s17;
	s21 =	ssub.s32 $0x180, s25;
	p1 =	sgt.s32 s22, $0x7F  }
.Ltmp4:
0x3b: {  	s23 =	sadd.s32 s2, s26;
	s21 =	simm.s32 @p1 $0x0;
	(pc) =	sbr.rel .LBB1_3-.Ltmp4, $4  }
0x3c: {  	s29 =	sand.u32 $0x7, s18;
	s28 =	sadd.s32 s27, s23;
	s19 =	smul.u32 s21, s19  }
0x3d: {  	s18 =	sshrl.u32 s18, $0x3;
	s30 =	sshll.u32 s29, $0x12;
	s17 =	sadd.s32 s17, s28  }
0x3e: {  	s31 =	sor.u32 $0x400, s30;
	s17 =	sadd.s32 s18, s17;
	s19 =	sand.u32 $0x3FFFFFFF, s19  }
0x3f: {  	[tilespmem:s20], [sflag:$0x1] =	stream.strided.gather [hbm4b:s17+s31], s19, s6, s31, $0x38;
	[tilespmem:$0x8100] =	vst v63  }
.LBB1_4:
0x40: {  	p1 =	sgt.s32 s15, $0x1F;
	s17 =	smov.u32 s15;
	s18 =	sshra.s32 s15, $0x1F  }
0x41: {  	s19 =	smov.u32 s16;
	s20 =	sshra.s32 s16, $0x1F;
	s25 =	sshra.s32 s13, $0x1F  }
0x42: {  	s17 =	simm.s32 @!p1 $0x1F;
	s18 =	sand.u32 s18, s15;
	p1 =	sgt.s32 s16, $0x37  }
0x43: {  	s23 =	sand.u32 s20, s16;
	s17 =	ssub.s32 s17, s18;
	s19 =	simm.s32 @!p1 $0x37  }
0x44: {  	s27 =	sshra.s32 s14, $0x1F;
	s24 =	sadd.s32 $0xFFFFFFE1, s17;
	s18 =	ssub.s32 s19, s23  }
0x45: {  	s17 =	ssub.s32 $0x20, s17;
	p1 =	sgt.s32 s24, $0x0;
	s19 =	sadd.s32 $0xFFFFFFC9, s18  }
0x46: {  	s18 =	ssub.s32 $0x38, s18;
	s17 =	simm.s32 @p1 $0x0;
	p1 =	sgt.s32 s19, $0x0  }
0x47: {  	s19 =	smov.u32 s13;
	s18 =	simm.s32 @p1 $0x0;
	p1 =	sgt.s32 s13, $0xFFFFFFF8  }
0x48: {  	s26 =	sand.u32 s25, s13;
	s17 =	smul.u32 s17, s18;
	s19 =	simm.s32 @!p1 $0xFFFFFFF8  }
0x49: {  	p1 =	sgt.s32 s14, $0x100;
	s18 =	ssub.s32 s19, s26;
	s19 =	smov.u32 s14  }
0x4a: {  	s20 =	sand.u32 s27, s14;
	s21 =	sadd.s32 $0x8, s18;
	s19 =	simm.s32 @!p1 $0x100  }
0x4b: {  	s18 =	ssub.s32 $0x38, s18;
	p1 =	sgt.s32 s21, $0x3F;
	s19 =	ssub.s32 s19, s20  }
0x4c: {  	s18 =	simm.s32 @p1 $0x0;
	s20 =	sadd.s32 $0xFFFFFF00, s19  }
0x4d: {  	s17 =	smul.u32 s18, s17;
	p1 =	sgt.s32 s20, $0x7F;
	s18 =	ssub.s32 $0x180, s19  }
0x4e: {  	s18 =	simm.s32 @p1 $0x0  }
0x4f: {  	s17 =	smul.u32 s18, s17;
	_ =	sdelay $0x1  }
0x50: {  	s18 =	simm.s32 $0x1;
	s17 =	sand.u32 $0x3FFFFFFF, s17  }
0x51: {  	s18 =	simm.s32 @!p0 $0x0;
	_ =	swait.ge [sflag:s4], s17  }
0x52: {  	s28 =	sshll.u32 s18, $0xD;
	s17 =	ssub.s32 $0x0, s17;
	[sflag:s4] =	ssyncset.done $0x0  }
0x53: {  	s29 =	sor.u32 $0x40, s28;
	[sflag:s4] =	ssyncadd.s32 s17  }
0x54: {  	s30 =	smul.u32 $0x8200, s18;
	v0 =	vld [tilespmem:s29+$0x30]  }
0x55: {  	v1 =	vld [tilespmem:s29+$0xFFFFFFD0]  }
0x56: {  	s17 =	sshrl.u32 s30, $0x2;
	v5 =	vld [tilespmem:s29+$0xFFFFFFE0]  }
0x57: {  	s18 =	sor.u32 $0x4000, s17;
	v6 =	vld [tilespmem:s29+$0xFFFFFFF0]  }
0x58: {  	s31 =	sand.u32 $0x1, s8;
	v4 =	vld [tilespmem:s29+$0x0];
	s19 =	sadd.s32 $0x0, s18  }
0x59: {  	s17 =	smul.u32 $0x8200, s31;
	v2 =	vld [tilespmem:s29+$0x10];
	[tilespmem:s19+$0x1C70 ss:$0x41] =	vst.msk $0xffff, v0  }
0x5a: {  	v3 =	vld [tilespmem:s29+$0x20];
	[tilespmem:s19+$0x410 ss:$0x41] =	vst.msk $0xffff, v1  }
0x5b: {  	s20 =	sadd.s32 $0x80, s29;
	s17 =	sshrl.u32 s17, $0x2;
	v0 =	vld [tilespmem:s29+$0xFFFFFFC0];
	[tilespmem:s19+$0x820 ss:$0x41] =	vst.msk $0xffff, v5  }
0x5c: {  	s22 =	simm.s32 $0x8;
	s21 =	simm.s32 $0x4;
	s17 =	sor.u32 $0x4000, s17;
	v1 =	vld [tilespmem:s20+$0x30];
	[tilespmem:s19+$0xC30 ss:$0x41] =	vst.msk $0xffff, v6  }
.LBB1_5:
0x5d: {  	p1 =	sne.s32 s22, $0xFC;
	v5 =	vld [tilespmem:s20+$0xFFFFFFD0];
	[tilespmem:s19+$0x1040 ss:$0x41] =	vst.msk $0xffff, v4  }
0x5e: {  	v6 =	vld [tilespmem:s20+$0xFFFFFFE0];
	[tilespmem:s19+$0x1450 ss:$0x41] =	vst.msk $0xffff, v2  }
0x5f: {  	s23 =	sshra.s32 s21, $0x2;
	s21 =	smov.u32 s22;
	v7 =	vld [tilespmem:s20+$0xFFFFFFF0];
	[tilespmem:s19+$0x1860 ss:$0x41] =	vst.msk $0xffff, v3  }
.Ltmp5:
0x60: {  	v4 =	vld [tilespmem:s20+$0x0];
	[tilespmem:s19+$0x0 ss:$0x41] =	vst.msk $0xffff, v0;
	s19 =	sadd.s32 s23, s18;
	(pc) =	sbr.rel @p1 .LBB1_5-.Ltmp5, $4  }
0x61: {  	v2 =	vld [tilespmem:s20+$0x10];
	[tilespmem:s19+$0x1C70 ss:$0x41] =	vst.msk $0xffff, v1  }
0x62: {  	[tilespmem:s19+$0x410 ss:$0x41] =	vst.msk $0xffff, v5;
	v3 =	vld [tilespmem:s20+$0x20]  }
0x63: {  	v0 =	vld [tilespmem:s20+$0xFFFFFFC0];
	[tilespmem:s19+$0x820 ss:$0x41] =	vst.msk $0xffff, v6;
	s20 =	sadd.s32 $0x80, s20  }
0x64: {  	s22 =	sadd.s32 $0x4, s22;
	v1 =	vld [tilespmem:s20+$0x30];
	[tilespmem:s19+$0xC30 ss:$0x41] =	vst.msk $0xffff, v7  }
0x65: {  	s16 =	sshll.u32 s16, $0x7;
	s22 =	sshll.u32 s13, $0x3;
	v5 =	vld [tilespmem:s20+$0xFFFFFFD0];
	[tilespmem:s19+$0x1040 ss:$0x41] =	vst.msk $0xffff, v4  }
0x66: {  	v58 =	vld [tilespmem:s20+$0xFFFFFFE0];
	s23 =	sand.u32 $0xFFFFFC00, s16;
	s22 =	sand.u32 $0xFFFFFC00, s22;
	[tilespmem:s19+$0x1450 ss:$0x41] =	vst.msk $0xffff, v2  }
0x67: {  	s21 =	sshra.s32 s21, $0x2;
	v59 =	vld [tilespmem:s20+$0xFFFFFFF0];
	s16 =	sand.u32 $0x380, s16;
	s22 =	sadd.s32 s23, s22;
	[tilespmem:s19+$0x1860 ss:$0x41] =	vst.msk $0xffff, v3  }
0x68: {  	v60 =	vld [tilespmem:s20+$0x0];
	s18 =	sadd.s32 s21, s18;
	s16 =	sor.u32 s16, s22;
	[tilespmem:s19+$0x0 ss:$0x41] =	vst.msk $0xffff, v0  }
0x69: {  	v61 =	vld [tilespmem:s20+$0x10];
	s15 =	smul.u32 $0x54000, s15;
	s16 =	sshrl.u32 s16, $0x7;
	[tilespmem:s18+$0x1C70 ss:$0x41] =	vst.msk $0xffff, v1  }
0x6a: {  	v62 =	vld [tilespmem:s20+$0x20];
	s28 =	smulhi.u32 $0x4924925, s16;
	[tilespmem:s18+$0x410 ss:$0x41] =	vst.msk $0xffff, v5  }
0x6b: {  	v63 =	vld [tilespmem:s20+$0xFFFFFFC0];
	s14 =	smul.u32 $0x380, s14;
	[tilespmem:s18+$0x820 ss:$0x41] =	vst.msk $0xffff, v58  }
0x6c: {  	s29 =	sshrl.u32 s13, $0x3;
	[tilespmem:s18+$0xC30 ss:$0x41] =	vst.msk $0xffff, v59;
	s19 =	smul.u32 $0x38, s28  }
.Ltmp6:
0x6d: {  	s30 =	sand.u32 $0x7, s13;
	s15 =	sadd.s32 s3, s15;
	[tilespmem:s18+$0x1040 ss:$0x41] =	vst.msk $0xffff, v60;
	(pc) =	sbr.rel .LBB1_7-.Ltmp6, $4  }
0x6e: {  	s14 =	sadd.s32 s14, s15;
	[tilespmem:s18+$0x1450 ss:$0x41] =	vst.msk $0xffff, v61;
	s16 =	ssub.s32 s16, s19;
	s19 =	sand.u32 $0xF, s29  }
0x6f: {  	s13 =	sshll.u32 s30, $0x12;
	[tilespmem:s18+$0x1860 ss:$0x41] =	vst.msk $0xffff, v62;
	s31 =	sshll.u32 s16, $0x4;
	s14 =	sadd.s32 s19, s14  }
0x70: {  	s13 =	sor.u32 $0x40, s13;
	[tilespmem:s18+$0x0 ss:$0x41] =	vst.msk $0xffff, v63;
	s14 =	sadd.s32 s31, s14  }
0x71: {  	[hbm4b:s14+s13] =	stream.strided.scatter [tilespmem:s17], [sflag:$0x2], $0x2000, s7, s13, $0x18;
	[tilespmem:$0x8100] =	vst v63  }
.LBB1_8:
0x72: {  	_ =	sfence.sel $0x180000  }
0x73: {  	s2 =	simm.s32 $0x1;
	[bflag:$0x0] =	sbarrier.arrive $0xFFFF  }
0x74: {  	s31 =	simm.s32 $0x2;
	[sflag:s2] =	ssyncpa.u1 $0x1  }
0x75: {  	[sflag:s31] =	ssyncpa.u1 $0x1  }
0x76: {  	p0 =	sne.s32 s1, $0x0;
	_ =	strace $0x90000047  }
0x77: {  	s0 =	sadd.s32 @!p0 $0x100000, s0;
	[bflag:$0x2] =	sbarrier.arrive $0xFFFF  }
0x78: {  	[sflag:s0] =	ssyncadd.tile.s32 @!p0 $0x1;
	_ =	shalt  }
.Lfunc_end1:
_tile_overlayer_lowered:
.L_overlay_start_2:
0x79: {  	(tag) =	ssettag $0x2  }
0x7a: {  	s0 =	rddreg [dreg:$0x0];
	s2 =	stileid.u32  }
0x7b: {  	s1 =	rddreg [dreg:$0x1];
	p0 =	sne.s32 s2, $0x0  }
0x7c: {  	s3 =	rddreg [dreg:$0x2];
	[bflag:$0x3] =	sbarrier.arrive $0xFFFF;
	s2 =	simm.s32 @!p0 $0x1C01  }
0x7d: {  	[timem:s3], [sflag:s2] =	dma.local @!p0 [hbm:s0], s1  }
0x7e: {  	s0 =	simm.s32 @!p0 $0x1  }
0x7f: {  	_ =	swait.ge @!p0 [sflag:s0], s1  }
0x80: {  	s1 =	ssub.s32 @!p0 $0x0, s1;
	[sflag:s0] =	ssyncset.done @!p0 $0x0  }
0x81: {  	[sflag:s0] =	ssyncadd.s32 @!p0 s1  }
0x82: {  	[bflag:$0x3] =	sbarrier.arrive $0xFFFF  }
0x83: {  	_ =	shalt  }

// kernel: sparse-core-data-format-call.cloned.1.call-start
scs
called_computation_lowered:
.L_overlay_start_0:
0x0: {  	s2 =	sld [smem:$0x3FD9]  }
0x1: {  	s3 =	sld [smem:$0x3FFE];
	_ =	sdelay $0x1  }
0x2: {  	s1 =	srdreg.scid  }
0x3: {  	s0 =	sand.u32 $0x1, s1  }
0x4: {  	s18 =	sshll.u32 s0, $0xA;
	s2 =	sadd.s32 s3, s2  }
0x5: {  	s2 =	sadd.s32 s2, s18  }
0x6: {  	[smem:$0x3FC7] =	sst s2  }
0x7: {  	_ = 	snop  }
0x8: {  	s2 =	sld [smem:$0x3FD0];
	(tm) =	ssettm $0x1  }
0x9: {  	s19 =	sld [smem:$0x3FFB];
	_ =	sdelay $0x3  }
0xa: {  	_ =	strace s19  }
0xb: {  	s3 =	sld [smem:$0x3FFC];
	_ =	sdelay $0x3  }
0xc: {  	_ =	strace s3  }
0xd: {  	s3 =	sld [smem:$0x3FFD];
	_ =	sdelay $0x3  }
0xe: {  	_ =	strace s3  }
0xf: {  	_ =	strace $0x8FFFFFFF  }
0x10: {  	s20 =	sld [smem:$0x3FDB];
	_ =	sdelay $0x1  }
0x11: {  	s4 =	simm.s32 $_scs_section_size  }
0x12: {  	s5 =	simm.s32 $_size__tile_overlayer_lowered;
	s6 =	simm.s32 $_tile_overlayer_lowered  }
0x13: {  	s23 =	simm.s32 $0x1BFF;
	s22 =	sshll.u32 s6, $0x1;
	s3 =	sadd.s32 s4, s20  }
0x14: {  	s7 =	simm.s32 $0x0;
	s21 =	sshll.u32 s5, $0x1;
	s5 =	sadd.s32 s22, s3  }
0x15: {  	[timem:s7], [sflag:s23] =	dma.local [hbm:s5], s21  }
0x16: {  	_ =	swait.ge [sflag:s23], s21  }
0x17: {  	s4 =	ssub.s32 $0x0, s21;
	[sflag:s23] =	ssyncset.done $0x0  }
0x18: {  	[sflag:s23] =	ssyncadd.s32 s4;
	_ =	sdelay $0x1  }
0x19: {  	s24 =	simm.s32 $0x1B8B  }
0x1a: {  	_ =	swait.ge [sflag:s24], $0x1  }
0x1b: {  	[sflag:s24] =	ssyncset.done $0x0  }
0x1c: {  	s26 =	simm.s32 $0x1B8E;
	s25 =	sld [smem:$0x3FFE];
	[sflag:s24] =	ssyncadd.s32 $0xFFFFFFFF  }
0x1d: {  	s27 =	simm.s32 $execute0_lowered;
	[smem:$0x3FD2] =	sst s26  }
0x1e: {  	s5 =	sshll.u32 s27, $0x1;
	_ =	strace $0x8000004C;
	[dreg:$0x1] =	wrdreg $0xFFFFFFFF  }
0x1f: {  	s28 =	simm.s32 $_size_execute0_lowered;
	s3 =	sadd.s32 s3, s5;
	[dreg:$0x0] =	wrdreg $0x0  }
0x20: {  	s5 =	sshll.u32 s28, $0x1;
	[dreg:$0x2] =	wrdreg s3  }
0x21: {  	[dreg:$0x3] =	wrdreg s5  }
0x22: {  	[dreg:$0x4] =	wrdreg $0xC0  }
0x23: {  	_ =	task [dreg:s7], $0x5FFFF  }
0x24: {  	[dreg:$0x1] =	wrdreg $0xFFFFFFFF  }
0x25: {  	[dreg:$0x0] =	wrdreg $0x60  }
0x26: {  	[dreg:$0x2] =	wrdreg s25  }
0x27: {  	[dreg:$0x3] =	wrdreg s2  }
0x28: {  	[dreg:$0x4] =	wrdreg $0x9  }
0x29: {  	_ =	task.clear_ibuf [dreg:s7], $0x5FFFF;
	_ =	strace $0x9000004C  }
0x2a: {  	s29 =	simm.s32 $0x9;
	_ =	strace $0x8000004E  }
0x2b: {  	_ =	swait.ge [sflag:s29], $0x1  }
0x2c: {  	[sflag:s29] =	ssyncadd.s32 $0xFFFFFFFF  }
0x2d: {  	_ =	strace $0x9000004E  }
0x2e: {  	_ =	sfence  }
0x2f: {  	s30 =	sld [smem:$0x0];
	_ =	sdelay $0x2  }
0x30: {  	s31 =	sshll.u32 s1, $0xD;
	s1 =	sshrl.u32 s1, $0x2  }
0x31: {  	s3 =	sand.u32 $0x4000, s31;
	s1 =	sadd.s32 s1, s30  }
0x32: {  	s0 =	sor.u32 s3, s0;
	s1 =	sshll.u32 s1, $0x11  }
0x33: {  	s0 =	sor.u32 s1, s0  }
0x34: {  	s0 =	sadd.s32 $0x8F2B, s0  }
0x35: {  	[sflag:s0] =	ssyncadd.remote.s32 $0x1  }
0x36: {  	_ =	sfence.sel $0xFFFF  }
0x37: {  	[dreg:$0x0] =	wrdreg $0xFFFFFFFF;
	(pc) =	sbr.abs _section_cstart, $3  }
0x38: {  	[dreg:$0x1] =	wrdreg $0xFFFFFFFF  }
0x39: {  	_ =	task.clear_ibuf [dreg:s7], $0x2FFFF;
	_ =	strace $0x9FFFFFFF  }
0x3a: {  	(tm) =	ssettm $0x7FFFFFFF  }
0x3b: {  	_ =	shalt  }
tec
execute0_lowered:
.L_overlay_start_1:
0x0: {  	(tag) =	ssettag $0x1  }
0x1: {  	s1 =	rddreg [dreg:$0x0]  }
0x2: {  	s2 =	rddreg [dreg:$0x1]  }
0x3: {  	s0 =	rddreg [dreg:$0x2]  }
0x4: {  	s4 =	srdreg.scid;
	_ =	strace $0x8000004D;
	s6 =	simm.s32 $0x2  }
0x5: {  	s14 =	simm.s32 $0x0;
	p0 =	por $0x0, $0x0;
	s15 =	simm.s32 $0x0  }
0x6: {  	s16 =	simm.s32 $0x0;
	s7 =	simm.s32 $0x0;
	s9 =	simm.s32 $0x0  }
.Ltmp0:
0x7: {  	s10 =	simm.s32 $0x0;
	s11 =	simm.s32 $0x0;
	(pc) =	sbr.rel .LBB1_1-.Ltmp0, $4  }
0x8: {  	s12 =	simm.s32 $0x0;
	s3 =	sadd.s32 $0x498E00, s1;
	s4 =	sshll.u32 s4, $0x4  }
0x9: {  	s1 =	stileid.u32;
	s5 =	sand.u32 $0x10, s4;
	s4 =	simm.s32 $0x1  }
0xa: {  	s8 =	simm.s32 $0x0;
	s5 =	sor.u32 s1, s5;
	[sflag:s4] =	ssyncpa.u1 $0x0  }
0xb: {  	[sflag:s6] =	ssyncpa.u1 $0x0;
	s6 =	simm.s32 $0xC00;
	s13 =	smov.u32 s5  }
.LBB1_5:
0xc: {  	p1 =	slt.u32 s8, $0x2  }
0xd: {  	p2 =	sgt.s32 @!p1 s16, $0x1F  }
0xe: {  	s17 =	smov.u32 s16;
	s18 =	sshra.s32 @!p1 s16, $0x1F;
	p2 =	por !p2, p1  }
0xf: {  	p3 =	sgt.s32 @!p1 s15, $0x100;
	s16 =	sand.u32 @!p1 s18, s16;
	s17 =	simm.s32 @p2 $0x1F  }
0x10: {  	s19 =	smov.u32 s14;
	p3 =	por !p3, p1;
	s16 =	ssub.s32 @!p1 s17, s16  }
0x11: {  	s18 =	sshra.s32 @!p1 s15, $0x1F;
	s17 =	sadd.s32 @!p1 $0xFFFFFFE1, s16;
	s16 =	ssub.s32 @!p1 $0x20, s16  }
0x12: {  	p2 =	sgt.s32 @!p1 s17, $0x0;
	s17 =	smov.u32 s15;
	s15 =	sand.u32 @!p1 s18, s15  }
0x13: {  	s18 =	sshra.s32 @!p1 s14, $0x1F;
	s17 =	simm.s32 @p3 $0x100;
	p3 =	sgt.s32 @!p1 s14, $0x37  }
0x14: {  	s16 =	smul.u32 @!p1 $0x38, s16;
	p3 =	por !p3, p1;
	s15 =	ssub.s32 @!p1 s17, s15  }
0x15: {  	s14 =	sand.u32 @!p1 s18, s14;
	s19 =	simm.s32 @p3 $0x37;
	s17 =	sadd.s32 @!p1 $0xFFFFFF00, s15  }
0x16: {  	p2 =	por !p2, p1;
	s14 =	ssub.s32 @!p1 s19, s14;
	p3 =	sgt.s32 @!p1 s17, $0x7F  }
0x17: {  	s15 =	ssub.s32 @!p1 $0x180, s15;
	s18 =	sadd.s32 @!p1 $0xFFFFFFC9, s14;
	p3 =	por !p3, p1  }
0x18: {  	s16 =	simm.s32 @!p2 $0x0;
	s15 =	simm.s32 @!p3 $0x0;
	p3 =	sgt.s32 @!p1 s18, $0x0  }
0x19: {  	s14 =	ssub.s32 @!p1 $0x38, s14;
	p2 =	por !p3, p1;
	s15 =	smul.u32 @!p1 s15, s16  }
0x1a: {  	s17 =	sadd.s32 $0x1, s11;
	s18 =	smov.u32 s12;
	s14 =	simm.s32 @!p2 $0x0  }
0x1b: {  	p2 =	sgt.s32 s17, $0x37;
	s14 =	smul.u32 @!p1 s14, s15;
	s15 =	sadd.s32 $0x80, s12  }
0x1c: {  	s18 =	smov.u32 @p2 s15  }
0x1d: {  	s20 =	smov.u32 s13;
	s15 =	sadd.s32 $0x20, s13;
	p3 =	sgt.s32 s18, $0x17F  }
0x1e: {  	s8 =	sadd.s32 $0x1, s8;
	p0 =	por !p0, !p0;
	s20 =	smov.u32 @p3 s15  }
0x1f: {  	s19 =	simm.s32 @!p1 $0x2;
	s17 =	simm.s32 @p2 $0x0;
	p2 =	sgt.s32 s20, $0x1F  }
0x20: {  	s16 =	smov.u32 s10;
	s20 =	smov.u32 @p2 s5;
	p2 =	sne.s32 s8, $0xAA  }
.Ltmp1:
0x21: {  	s10 =	smov.u32 s13;
	s14 =	sand.u32 @!p1 $0x3FFFFFF8, s14;
	(pc) =	sbr.rel @!p2 .LBB1_6-.Ltmp1, $4  }
0x22: {  	_ =	swait.ge @!p1 [sflag:s19], s14;
	s21 =	ssub.s32 @!p1 $0x0, s14;
	s14 =	smov.u32 s7  }
0x23: {  	s15 =	smov.u32 s9;
	s18 =	simm.s32 @p3 $0x0;
	s7 =	smov.u32 s11  }
0x24: {  	s9 =	smov.u32 s12;
	s11 =	smov.u32 s17;
	[sflag:s19] =	ssyncset.done @!p1 $0x0  }
0x25: {  	s12 =	smov.u32 s18;
	[sflag:s19] =	ssyncadd.s32 @!p1 s21;
	s13 =	smov.u32 s20  }
.LBB1_1:
0x26: {  	p1 =	sgt.u32 s8, $0xA7  }
0x27: {  	s17 =	sand.u32 @!p1 $0x1FFFFFF, s11;
	s19 =	smul.u32 @!p1 $0x54000, s13  }
0x28: {  	s18 =	smulhi.u32 @!p1 $0x4924925, s17  }
0x29: {  	s21 =	smul.u32 @!p1 $0x380, s12  }
0x2a: {  	s18 =	smul.u32 @!p1 $0x38, s18  }
0x2b: {  	s19 =	sadd.s32 @!p1 s3, s19  }
0x2c: {  	s20 =	sxor.u32 @!p1 $0xFFFFFFFF, s8;
	s19 =	sadd.s32 @!p1 s21, s19;
	s17 =	ssub.s32 @!p1 s17, s18  }
0x2d: {  	s18 =	sshll.u32 @!p1 s20, $0xD;
	s20 =	simm.s32 @!p1 $0x1C00;
	s17 =	sshll.u32 @!p1 s17, $0x4  }
0x2e: {  	s18 =	sand.u32 @!p1 $0x2000, s18;
	s17 =	sadd.s32 @!p1 s17, s19;
	s19 =	simm.s32 @!p1 $0x40  }
0x2f: {  	[tilespmem:s18], [sflag:$0x1] =	stream.strided.gather @!p1 [hbm4b:s17+s19], $0x2000, s20, s19, $0x38;
	[tilespmem:$0x8080] =	vst v63  }
0x30: {  	p1 =	seq.s32 s8, $0x0  }
0x31: {  	p2 =	seq.s32 @!p1 s8, $0xA9  }
0x32: {  	p1 =	por p1, p2  }
.Ltmp2:
0x33: {  	_ = 	snop;
	(pc) =	sbr.rel @p1 .LBB1_5-.Ltmp2, $1  }
0x34: {  	_ =	sdelay $0x3  }
0x35: {  	s17 =	simm.s32 $0x1  }
0x36: {  	_ =	swait.ge [sflag:s4], $0x2000;
	s17 =	simm.s32 @!p0 $0x0  }
0x37: {  	[sflag:s4] =	ssyncset.done $0x0;
	s18 =	sshll.u32 s17, $0xD  }
0x38: {  	[sflag:s4] =	ssyncadd.s32 $0xFFFFE000;
	s21 =	sor.u32 $0x20, s18  }
0x39: {  	s17 =	smul.u32 $0x8100, s17;
	v3 =	vld [tilespmem:s21+$0x10]  }
0x3a: {  	s30 =	sand.u32 $0x1, s8;
	v2 =	vld [tilespmem:s21+$0xFFFFFFF0]  }
0x3b: {  	s18 =	smul.u32 $0x8100, s30;
	s17 =	sshrl.u32 s17, $0x2;
	v0 =	vld [tilespmem:s21+$0x0]  }
0x3c: {  	v1 =	vld [tilespmem:s21+$0xFFFFFFE0];
	s19 =	sor.u32 $0x4000, s17  }
0x3d: {  	s31 =	sshrl.u32 s18, $0x2;
	s18 =	sadd.s32 $0x0, s19  }
0x3e: {  	s20 =	simm.s32 $0x4;
	s21 =	sadd.s32 $0x40, s21;
	s17 =	sor.u32 $0x4000, s31;
	[tilespmem:s18+$0x1830 ss:$0x81] =	vst.msk $0xffff, v3  }
.LBB1_3:
0x3f: {  	v3 =	vld [tilespmem:s21+$0x10];
	p1 =	sne.s32 s20, $0x1FC;
	[tilespmem:s18+$0x810 ss:$0x81] =	vst.msk $0xffff, v2;
	s22 =	smov.u32 s20;
	s20 =	sadd.s32 $0x4, s20  }
.Ltmp3:
0x40: {  	v2 =	vld [tilespmem:s21+$0xFFFFFFF0];
	[tilespmem:s18+$0x1020 ss:$0x81] =	vst.msk $0xffff, v0;
	(pc) =	sbr.rel @p1 .LBB1_3-.Ltmp3, $4  }
0x41: {  	v0 =	vld [tilespmem:s21+$0x0];
	[tilespmem:s18+$0x0 ss:$0x81] =	vst.msk $0xffff, v1  }
0x42: {  	s18 =	sshra.s32 s22, $0x2;
	v1 =	vld [tilespmem:s21+$0xFFFFFFE0]  }
0x43: {  	s18 =	sadd.s32 s18, s19  }
0x44: {  	s21 =	sadd.s32 $0x40, s21;
	[tilespmem:s18+$0x1830 ss:$0x81] =	vst.msk $0xffff, v3  }
0x45: {  	s19 =	sshll.u32 s9, $0x3;
	s20 =	sand.u32 $0x7F, s9  }
0x46: {  	p1 =	sgt.s32 s10, $0x1F;
	s23 =	smov.u32 s10;
	s24 =	sshra.s32 s10, $0x1F  }
0x47: {  	p2 =	sgt.s32 s9, $0x100;
	s25 =	smov.u32 s9;
	s26 =	sshra.s32 s9, $0x1F  }
0x48: {  	s30 =	sshra.s32 s7, $0x1F;
	s27 =	smul.u32 $0xA80, s7;
	s19 =	sand.u32 $0xFFFFFC00, s19  }
0x49: {  	s23 =	simm.s32 @!p1 $0x1F;
	s24 =	sand.u32 s24, s10;
	s25 =	simm.s32 @!p2 $0x100  }
0x4a: {  	s29 =	sand.u32 s26, s9;
	p2 =	sgt.s32 s7, $0x37;
	s26 =	smov.u32 s7  }
0x4b: {  	s20 =	sor.u32 s20, s19;
	s19 =	smulhi.u32 $0xAAAAAAAB, s19;
	s23 =	ssub.s32 s23, s24  }
0x4c: {  	s26 =	simm.s32 @!p2 $0x37;
	s21 =	smulhi.u32 $0xAAAAAAAB, s20;
	s24 =	sadd.s32 $0xFFFFFFE1, s23  }
0x4d: {  	s23 =	ssub.s32 $0x20, s23;
	s19 =	sshrl.u32 s19, $0x8;
	p1 =	sgt.s32 s24, $0x0  }
0x4e: {  	s24 =	ssub.s32 s25, s29;
	s23 =	smul.u32 $0x38, s23;
	s21 =	sshrl.u32 s21, $0x8  }
0x4f: {  	s22 =	smulhi.u32 $0x4924925, s19;
	s25 =	sadd.s32 $0xFFFFFF00, s24;
	s24 =	ssub.s32 $0x180, s24  }
0x50: {  	s21 =	smul.u32 $0x180, s21;
	p2 =	sgt.s32 s25, $0x7F;
	s25 =	sand.u32 s30, s7  }
0x51: {  	s23 =	simm.s32 @p1 $0x0;
	s22 =	smul.u32 $0x38, s22;
	s24 =	simm.s32 @p2 $0x0  }
0x52: {  	s31 =	ssub.s32 s26, s25;
	s26 =	smul.u32 $0x24C00, s10;
	s20 =	ssub.s32 s20, s21  }
0x53: {  	s23 =	smul.u32 s24, s23;
	s25 =	sadd.s32 $0xFFFFFFC9, s31;
	s19 =	ssub.s32 s19, s22  }
0x54: {  	s21 =	ssub.s32 $0x38, s31;
	p1 =	sgt.s32 s25, $0x0;
	s19 =	smul.u32 $0x30, s19  }
.Ltmp4:
0x55: {  	s24 =	sadd.s32 s2, s26;
	s21 =	simm.s32 @p1 $0x0;
	(pc) =	sbr.rel .LBB1_5-.Ltmp4, $4  }
0x56: {  	[tilespmem:s18+$0x810 ss:$0x81] =	vst.msk $0xffff, v2;
	s28 =	sand.u32 $0x7, s20;
	s22 =	sadd.s32 s27, s24;
	s21 =	smul.u32 s21, s23  }
0x57: {  	[tilespmem:s18+$0x1020 ss:$0x81] =	vst.msk $0xffff, v0;
	s20 =	sshrl.u32 s20, $0x3;
	s29 =	sshll.u32 s28, $0x12;
	s19 =	sadd.s32 s19, s22  }
0x58: {  	[tilespmem:s18+$0x0 ss:$0x81] =	vst.msk $0xffff, v1;
	s31 =	sor.u32 $0x400, s29;
	s30 =	sand.u32 $0x3FFFFFF8, s21;
	s19 =	sadd.s32 s20, s19  }
0x59: {  	[hbm4b:s19+s31] =	stream.strided.scatter [tilespmem:s17], [sflag:$0x2], s30, s6, s31, $0x20;
	[tilespmem:$0x8080] =	vst v63  }
.LBB1_6:
0x5a: {  	_ =	sfence.sel $0x180000  }
0x5b: {  	s2 =	simm.s32 $0x1;
	[bflag:$0x0] =	sbarrier.arrive $0xFFFF  }
0x5c: {  	s31 =	simm.s32 $0x2;
	[sflag:s2] =	ssyncpa.u1 $0x1  }
0x5d: {  	[sflag:s31] =	ssyncpa.u1 $0x1  }
0x5e: {  	p0 =	sne.s32 s1, $0x0;
	_ =	strace $0x9000004D  }
0x5f: {  	s0 =	sadd.s32 @!p0 $0x100000, s0;
	[bflag:$0x2] =	sbarrier.arrive $0xFFFF  }
0x60: {  	[sflag:s0] =	ssyncadd.tile.s32 @!p0 $0x1;
	_ =	shalt  }
.Lfunc_end1:
_tile_overlayer_lowered:
.L_overlay_start_2:
0x61: {  	(tag) =	ssettag $0x2  }
0x62: {  	s0 =	rddreg [dreg:$0x0];
	s2 =	stileid.u32  }
0x63: {  	s1 =	rddreg [dreg:$0x1];
	p0 =	sne.s32 s2, $0x0  }
0x64: {  	s3 =	rddreg [dreg:$0x2];
	[bflag:$0x3] =	sbarrier.arrive $0xFFFF;
	s2 =	simm.s32 @!p0 $0x1C01  }
0x65: {  	[timem:s3], [sflag:s2] =	dma.local @!p0 [hbm:s0], s1  }
0x66: {  	s0 =	simm.s32 @!p0 $0x1  }
0x67: {  	_ =	swait.ge @!p0 [sflag:s0], s1  }
0x68: {  	s1 =	ssub.s32 @!p0 $0x0, s1;
	[sflag:s0] =	ssyncset.done @!p0 $0x0  }
0x69: {  	[sflag:s0] =	ssyncadd.s32 @!p0 s1  }
0x6a: {  	[bflag:$0x3] =	sbarrier.arrive $0xFFFF  }
0x6b: {  	_ =	shalt  }

</sc_bundles>
